<compile_context>
chip_gen: v7x
topology: tpu7x:2x2x1
jax: 0.10.2.dev20260603
libtpu: 0.0.44.dev20260713+nightly
codegen_flags: <defaults>
</compile_context>

<pallas_src>
import functools

import numpy as np
import jax
import jax.numpy as jnp
from jax import lax
from jax.experimental import pallas as pl
from jax.experimental.pallas import tpu as pltpu
from jax.experimental.pallas import tpu_sc as plsc

NCORE = 2
NSUB = 16
NW = NCORE * NSUB
LANES = 16

T = 2048
WIN = 4096
UNROLL = 4


def _error_body(x_ref, l_ref, o_ref):
    x = x_ref[0]
    m = jnp.max(x, axis=0, keepdims=True)
    ex = jnp.exp(x - m)
    p = ex / jnp.sum(ex, axis=0, keepdims=True)
    lbl = l_ref[0]
    cls = lax.broadcasted_iota(jnp.int32, (x.shape[0], 1), 0)
    fg = lbl == cls
    o_ref[...] = jnp.where(fg, -(1.0 - p), p)


def _hist_body(e_hbm, out_hbm, ebuf, hist0, hist1, red, sem0, sem1):
    wid = lax.axis_index("s") * NCORE + lax.axis_index("c")
    npix_t = e_hbm.shape[1] // NW
    nwin = npix_t // WIN
    num_classes = e_hbm.shape[0]
    total = num_classes * nwin

    zi = jnp.zeros((LANES,), jnp.int32)
    laneoff = jnp.arange(LANES, dtype=jnp.int32) * T
    one = jnp.full((LANES,), 1, jnp.uint32)

    def _copy_g(g, buf):
        c = g // nwin
        w = g - c * nwin
        src = e_hbm.at[c, pl.ds(wid * npix_t + w * WIN, WIN)]
        return pltpu.make_async_copy(
            src, ebuf.at[pl.ds(buf * WIN, WIN)], sem0 if buf == 0 else sem1)

    def _start_g(g):
        @pl.when(g % 2 == 0)
        def _():
            _copy_g(g, 0).start()

        @pl.when(g % 2 == 1)
        def _():
            _copy_g(g, 1).start()

    def _wait_g(g):
        @pl.when(g % 2 == 0)
        def _():
            _copy_g(g, 0).wait()

        @pl.when(g % 2 == 1)
        def _():
            _copy_g(g, 1).wait()

    def _zero(i, _):
        hist0[pl.ds(i * LANES, LANES)] = zi
        hist1[pl.ds(i * LANES, LANES)] = zi
        return 0

    lax.fori_loop(0, (LANES * T) // LANES, _zero, 0)
    _start_g(0)

    def _class_body(c, _):
        def _win_body(w, _):
            g = c * nwin + w

            @pl.when(g + 1 < total)
            def _():
                _start_g(g + 1)

            _wait_g(g)
            base = (g % 2) * WIN

            def _vec_body(j, _):
                for k in range(UNROLL):
                    v = ebuf[pl.ds(base + (j * UNROLL + k) * LANES, LANES)]
                    u = plsc.bitcast(v, jnp.uint32)
                    upd = plsc.bitcast(((u >> 31) << 16) + one, jnp.int32)
                    e = jnp.abs(v)
                    q = (e * float(T)).astype(jnp.int32)
                    q = jnp.minimum(q, T - 1)
                    idx = q + laneoff
                    plsc.addupdate_scatter(
                        hist0 if k % 2 == 0 else hist1, [idx], upd)
                return 0

            lax.fori_loop(0, WIN // (LANES * UNROLL), _vec_body, 0)
            return 0

        lax.fori_loop(0, nwin, _win_body, 0)

        def _red_body(t, _):
            acc = zi
            for l in range(LANES):
                off = l * T + t * LANES
                acc = acc + hist0[pl.ds(off, LANES)] + hist1[pl.ds(off, LANES)]
                hist0[pl.ds(off, LANES)] = zi
                hist1[pl.ds(off, LANES)] = zi
            red[pl.ds(t * LANES, LANES)] = acc
            return 0

        lax.fori_loop(0, T // LANES, _red_body, 0)
        pltpu.sync_copy(red, out_hbm.at[c, wid])
        return 0

    lax.fori_loop(0, num_classes, _class_body, 0)


def _final_body(h_ref, m_ref, o_ref):
    hu = lax.bitcast_convert_type(h_ref[...], jnp.uint32)
    ha3 = (hu & jnp.uint32(0xFFFF)).astype(jnp.float32)
    hf3 = (hu >> jnp.uint32(16)).astype(jnp.float32)
    ha = jnp.sum(ha3, axis=1)
    hf = jnp.sum(hf3, axis=1)
    m = m_ref[...]
    F = jnp.dot(ha, m, preferred_element_type=jnp.float32)
    S = jnp.dot(hf, m, preferred_element_type=jnp.float32)
    G = jnp.sum(hf, axis=1, keepdims=True)
    den = jnp.maximum(G + F - S, 1.0)
    J = jnp.where(F > 0, 1.0 - (G - S) / den, 0.0)
    o_ref[0, 0] = jnp.sum(J) / (float(T) * h_ref.shape[0])


_SUFFIX_M = np.tril(np.ones((T, T), np.float32))


def kernel(x_src, x_tgt):
    B, C, H, Wd = x_src.shape
    HWp = H * Wd
    N = B * HWp
    CH = 2048
    x3 = x_src.reshape(B, C, HWp)
    l2 = x_tgt.reshape(B, 1, HWp)

    E = pl.pallas_call(
        _error_body,
        grid=(B, HWp // CH),
        in_specs=[
            pl.BlockSpec((1, C, CH), lambda b, k: (b, 0, k)),
            pl.BlockSpec((1, 1, CH), lambda b, k: (b, 0, k)),
        ],
        out_specs=pl.BlockSpec(
            (C, CH), lambda b, k: (0, b * (HWp // CH) + k)),
        out_shape=jax.ShapeDtypeStruct((C, N), jnp.float32),
    )(x3, l2)

    mesh = plsc.VectorSubcoreMesh(core_axis_name="c", subcore_axis_name="s")
    hist = pl.kernel(
        _hist_body,
        out_type=jax.ShapeDtypeStruct((C, NW, T), jnp.int32),
        mesh=mesh,
        scratch_types=[
            pltpu.VMEM((2 * WIN,), jnp.float32),
            pltpu.VMEM((LANES * T,), jnp.int32),
            pltpu.VMEM((LANES * T,), jnp.int32),
            pltpu.VMEM((T,), jnp.int32),
            pltpu.SemaphoreType.DMA,
            pltpu.SemaphoreType.DMA,
        ],
        compiler_params=pltpu.CompilerParams(needs_layout_passes=False),
    )(E)

    loss = pl.pallas_call(
        _final_body,
        in_specs=[
            pl.BlockSpec((C, NW, T), lambda: (0, 0, 0)),
            pl.BlockSpec((T, T), lambda: (0, 0)),
        ],
        out_specs=pl.BlockSpec(memory_space=pltpu.MemorySpace.SMEM),
        out_shape=jax.ShapeDtypeStruct((1, 1), jnp.float32),
    )(hist, jnp.asarray(_SUFFIX_M))
    return loss[0, 0]

# --- scband reference (transcript-rebuilt; emitter-appended) ---
"""Pipeline reference for scband-lovasz-loss-3195455668745 (READ-ONLY COPY).

The authoritative reference and input builder live on the scoring server;
editing this copy changes nothing except your own understanding.
"""

import jax, jax.numpy as jnp
import numpy as np

B, C, H, W = 4, 19, 512, 512


def setup_inputs(seed: int = 0) -> dict:
    key = jax.random.key(seed)
    k1, k2 = jax.random.split(key)
    x_src = jax.random.normal(k1, (B, C, H, W), dtype=jnp.float32)
    x_tgt = jax.random.randint(k2, (B, H, W), 0, C).astype(jnp.int32)
    return {"x_src": x_src, "x_tgt": x_tgt}


def lovasz_grad(gt_sorted):
    gts = jnp.sum(gt_sorted)
    intersection = gts - jnp.cumsum(gt_sorted, axis=0)
    union = gts + jnp.cumsum(1.0 - gt_sorted, axis=0)
    jaccard = 1.0 - intersection / union
    jaccard = jnp.concatenate([jaccard[:1], jaccard[1:] - jaccard[:-1]], axis=0)
    return jaccard


def reference(x_src, x_tgt):
    # softmax lovasz, classes='all', per_image=False, no class_weight.
    # Labels are in [0, C), so ignore_index (-100) mask is all-True and is a no-op.
    num_classes = x_src.shape[1]
    probs = jax.nn.softmax(x_src, axis=1)
    # bchw2nc: (B, C, H, W) -> (B*H*W, C)
    p = jnp.transpose(probs, (0, 2, 3, 1)).reshape(-1, num_classes)
    labels = x_tgt.reshape(-1)
    onehot = jax.nn.one_hot(labels, num_classes + 1, dtype=jnp.float32)[:, :num_classes]
    losses = []
    for cls_id in range(num_classes):
        fg = onehot[:, cls_id]
        class_prob = p[:, cls_id]
        errors = jnp.abs(fg - class_prob)
        perm = jnp.argsort(-errors)  # descending sort permutation
        errors_sorted = errors[perm]
        fg_sorted = fg[perm]
        losses.append(jnp.dot(errors_sorted, lovasz_grad(fg_sorted)))
    loss = jnp.mean(jnp.stack(losses))
    # reduction='mean' on a scalar is identity; scale_factor=1.0; lowest_loss_value=None
    return loss * 1.0

if __name__ == "__main__":
    import jax
    _d = setup_inputs()
    print(jax.jit(kernel)(*tuple(_d.values())))

</pallas_src>

<mosaic_0001>
#map = affine_map<(d0, d1) -> (0, 0)>
#map1 = affine_map<(d0, d1) -> (0, 0, 0)>
module attributes {stable_mosaic.version = 14 : i64} {
  func.func @_hist_body(%arg0: i32, %arg1: i32, %arg2: memref<19x1048576xf32, #tpu.memory_space<hbm>>, %arg3: memref<19x32x2048xi32, #tpu.memory_space<hbm>>, %arg4: memref<8192xf32, #tpu.memory_space<vmem>>, %arg5: memref<32768xi32, #tpu.memory_space<vmem>>, %arg6: memref<32768xi32, #tpu.memory_space<vmem>>, %arg7: memref<2048xi32, #tpu.memory_space<vmem>>, %arg8: memref<!tpu.dma_semaphore, #tpu.memory_space<semaphore_mem>>, %arg9: memref<!tpu.dma_semaphore, #tpu.memory_space<semaphore_mem>>) attributes {dimension_semantics = [#tpu.dimension_semantics<core_parallel>, #tpu.dimension_semantics<subcore_parallel>], iteration_bounds = array<i64: 2, 16>, scalar_prefetch = 0 : i64, scratch_operands = 6 : i64, tpu.core_type = #tpu.core_type<sc_vector_subcore>, window_params = [{transform_indices = #map}, {transform_indices = #map1}]} {
    %mul3A = arith.constant 2 : i32
    %mul3A_0 = arith.muli %arg1, %mul3A : i32
    %add3A = arith.addi %mul3A_0, %arg0 : i32
    %broadcast_in_dim3A = arith.constant 0 : i32
    %broadcast_in_dim3A_1 = vector.broadcast %broadcast_in_dim3A : i32 to vector<16xi32>
    %iota3A = tpu.iota {dimensions = array<i32: 0>} : vector<16xi32>
    %mul3A_2 = arith.constant 2048 : i32
    %mul3A_3 = vector.broadcast %mul3A_2 : i32 to vector<16xi32>
    %mul3A_4 = arith.muli %iota3A, %mul3A_3 : vector<16xi32>
    %broadcast_in_dim3A_5 = arith.constant 1 : i32
    %broadcast_in_dim3A_6 = vector.broadcast %broadcast_in_dim3A_5 : i32 to vector<16xi32>
    %scan3A = arith.constant 0 : i32
    %scan3A_7 = arith.constant 0 : i32
    %scan3A_8 = arith.constant 2048 : i32
    %scan3A_9 = arith.addi %scan3A_7, %scan3A_8 : i32
    %scan3A_10 = arith.constant 1 : i32
    %scan3A_11 = scf.for %scan3A_32 = %scan3A_7 to %scan3A_9 step %scan3A_10 iter_args(%scan3A_33 = %scan3A) -> (i32)  : i32 {
      %mul3A_34 = arith.constant 16 : i32
      %mul3A_35 = arith.muli %scan3A_32, %mul3A_34 : i32
      %swap3A = arith.index_cast %mul3A_35 : i32 to index
      %swap3A_36 = tpu.vector_load %arg5[%swap3A] {strides = array<i32>} : memref<32768xi32, #tpu.memory_space<vmem>>, vector<16xi32>,
      tpu.vector_store %arg5[%swap3A], %broadcast_in_dim3A_1 {strides = array<i32>} : memref<32768xi32, #tpu.memory_space<vmem>>, vector<16xi32>,
      %mul3A_37 = arith.constant 16 : i32
      %mul3A_38 = arith.muli %scan3A_32, %mul3A_37 : i32
      %swap3A_39 = arith.index_cast %mul3A_38 : i32 to index
      %swap3A_40 = tpu.vector_load %arg6[%swap3A_39] {strides = array<i32>} : memref<32768xi32, #tpu.memory_space<vmem>>, vector<16xi32>,
      tpu.vector_store %arg6[%swap3A_39], %broadcast_in_dim3A_1 {strides = array<i32>} : memref<32768xi32, #tpu.memory_space<vmem>>, vector<16xi32>,
      %scan3A_41 = arith.constant 0 : i32
      scf.yield %scan3A_41 : i32
    }
    %scan3A_12 = arith.constant 2048 : i32
    %mul3A_13 = arith.constant 32768 : i32
    %mul3A_14 = arith.muli %add3A, %mul3A_13 : i32
    %add3A_15 = arith.constant 0 : i32
    %add3A_16 = arith.addi %mul3A_14, %add3A_15 : i32
    %dma_start3A = arith.constant 0 : i32
    %dma_start3A_17 = arith.constant 0 : i32
    %dma_start3A_18 = tpu.memref_slice %arg4[%dma_start3A_17] : memref<8192xf32, #tpu.memory_space<vmem>> -> memref<4096xf32, #tpu.memory_space<vmem>>
    %dma_start3A_19 = tpu.memref_slice %arg2[%dma_start3A, %add3A_16] : memref<19x1048576xf32, #tpu.memory_space<hbm>> -> memref<1x4096xf32, #tpu.memory_space<hbm>>
    %dma_start3A_20 = tpu.memref_squeeze %dma_start3A_19 : memref<1x4096xf32, #tpu.memory_space<hbm>> -> memref<4096xf32, #tpu.memory_space<hbm>>
    %dma_start3A_21 = arith.constant 0 : i32
    %dma_start3A_22 = tpu.memref_slice %arg4[%dma_start3A_21] : memref<8192xf32, #tpu.memory_space<vmem>> -> memref<4096xf32, #tpu.memory_space<vmem>>
    %dma_start3A_23 = tpu.memref_slice %arg2[%dma_start3A, %add3A_16] : memref<19x1048576xf32, #tpu.memory_space<hbm>> -> memref<1x4096xf32, #tpu.memory_space<hbm>>
    %dma_start3A_24 = tpu.memref_squeeze %dma_start3A_23 : memref<1x4096xf32, #tpu.memory_space<hbm>> -> memref<4096xf32, #tpu.memory_space<hbm>>
    tpu.enqueue_dma source(%dma_start3A_24 : memref<4096xf32, #tpu.memory_space<hbm>>) target(%dma_start3A_22 : memref<4096xf32, #tpu.memory_space<vmem>>) target_semaphore(%arg8 : memref<!tpu.dma_semaphore, #tpu.memory_space<semaphore_mem>>)
    %scan3A_25 = arith.constant 0 : i32
    %scan3A_26 = arith.constant 0 : i32
    %scan3A_27 = arith.constant 19 : i32
    %scan3A_28 = arith.addi %scan3A_26, %scan3A_27 : i32
    %scan3A_29 = arith.constant 1 : i32
    %scan3A_30 = scf.for %scan3A_32 = %scan3A_26 to %scan3A_28 step %scan3A_29 iter_args(%scan3A_33 = %scan3A_25) -> (i32)  : i32 {
      %scan3A_34 = arith.constant 0 : i32
      %scan3A_35 = arith.constant 0 : i32
      %scan3A_36 = arith.constant 8 : i32
      %scan3A_37 = arith.addi %scan3A_35, %scan3A_36 : i32
      %scan3A_38 = arith.constant 1 : i32
      %scan3A_39 = scf.for %scan3A_49 = %scan3A_35 to %scan3A_37 step %scan3A_38 iter_args(%scan3A_50 = %scan3A_34) -> (i32)  : i32 {
        %mul3A_51 = arith.constant 8 : i32
        %mul3A_52 = arith.muli %scan3A_32, %mul3A_51 : i32
        %add3A_53 = arith.addi %mul3A_52, %scan3A_49 : i32
        %add3A_54 = arith.constant 1 : i32
        %add3A_55 = arith.addi %add3A_53, %add3A_54 : i32
        %lt3A = arith.constant 152 : i32
        %lt3A_56 = arith.cmpi slt, %add3A_55, %lt3A : i32
        %convert_element_type3A = arith.extui %lt3A_56 : i1 to i32
        %cond3A = arith.constant 0 : i32
        %cond3A_57 = arith.cmpi ne, %convert_element_type3A, %cond3A : i32
        scf.if %cond3A_57 {
          %add3A_120 = arith.constant 1 : i32
          %add3A_121 = arith.addi %add3A_53, %add3A_120 : i32
          %jit3A_122 = arith.constant 2 : i32
          %eq3A_123 = arith.constant 0 : i32
          %eq3A_124 = arith.cmpi eq, %jit3A_122, %eq3A_123 : i32
          %jit3A_125 = arith.constant 1 : i32
          %select_n3A_126 = arith.select %eq3A_124, %jit3A_125, %jit3A_122 : i32
          %rem3A_127 = arith.remsi %add3A_121, %select_n3A_126 : i32
          %ne3A_128 = arith.constant 0 : i32
          %ne3A_129 = arith.cmpi ne, %rem3A_127, %ne3A_128 : i32
          %lt3A_130 = arith.constant 0 : i32
          %lt3A_131 = arith.cmpi slt, %rem3A_127, %lt3A_130 : i32
          %lt3A_132 = arith.constant 0 : i32
          %lt3A_133 = arith.cmpi slt, %select_n3A_126, %lt3A_132 : i32
          %ne3A_134 = arith.xori %lt3A_131, %lt3A_133 : i1
          %and3A_135 = arith.andi %ne3A_134, %ne3A_129 : i1
          %add3A_136 = arith.addi %rem3A_127, %select_n3A_126 : i32
          %select_n3A_137 = arith.select %and3A_135, %add3A_136, %rem3A_127 : i32
          %eq3A_138 = arith.constant 0 : i32
          %eq3A_139 = arith.cmpi eq, %select_n3A_137, %eq3A_138 : i32
          %convert_element_type3A_140 = arith.extui %eq3A_139 : i1 to i32
          %cond3A_141 = arith.constant 0 : i32
          %cond3A_142 = arith.cmpi ne, %convert_element_type3A_140, %cond3A_141 : i32
          scf.if %cond3A_142 {
            %jit3A_164 = arith.constant 8 : i32
            %div3A = arith.divsi %add3A_121, %jit3A_164 : i32
            %sign3A = arith.constant 0 : i32
            %sign3A_165 = arith.cmpi sgt, %add3A_121, %sign3A : i32
            %sign3A_166 = arith.extui %sign3A_165 : i1 to i32
            %sign3A_167 = arith.constant 0 : i32
            %sign3A_168 = arith.cmpi slt, %add3A_121, %sign3A_167 : i32
            %sign3A_169 = arith.extui %sign3A_168 : i1 to i32
            %sign3A_170 = arith.subi %sign3A_166, %sign3A_169 : i32
            %sign3A_171 = arith.constant 0 : i32
            %sign3A_172 = arith.cmpi sgt, %jit3A_164, %sign3A_171 : i32
            %sign3A_173 = arith.extui %sign3A_172 : i1 to i32
            %sign3A_174 = arith.constant 0 : i32
            %sign3A_175 = arith.cmpi slt, %jit3A_164, %sign3A_174 : i32
            %sign3A_176 = arith.extui %sign3A_175 : i1 to i32
            %sign3A_177 = arith.subi %sign3A_173, %sign3A_176 : i32
            %ne3A_178 = arith.cmpi ne, %sign3A_170, %sign3A_177 : i32
            %rem3A_179 = arith.remsi %add3A_121, %jit3A_164 : i32
            %ne3A_180 = arith.constant 0 : i32
            %ne3A_181 = arith.cmpi ne, %rem3A_179, %ne3A_180 : i32
            %and3A_182 = arith.andi %ne3A_178, %ne3A_181 : i1
            %sub3A = arith.constant 1 : i32
            %sub3A_183 = arith.subi %div3A, %sub3A : i32
            %select_n3A_184 = arith.select %and3A_182, %sub3A_183, %div3A : i32
            %mul3A_185 = arith.constant 8 : i32
            %mul3A_186 = arith.muli %select_n3A_184, %mul3A_185 : i32
            %sub3A_187 = arith.subi %add3A_121, %mul3A_186 : i32
            %mul3A_188 = arith.constant 32768 : i32
            %mul3A_189 = arith.muli %add3A, %mul3A_188 : i32
            %mul3A_190 = arith.constant 4096 : i32
            %mul3A_191 = arith.muli %sub3A_187, %mul3A_190 : i32
            %add3A_192 = arith.addi %mul3A_189, %mul3A_191 : i32
            %dma_start3A_193 = arith.constant 0 : i32
            %dma_start3A_194 = tpu.memref_slice %arg4[%dma_start3A_193] : memref<8192xf32, #tpu.memory_space<vmem>> -> memref<4096xf32, #tpu.memory_space<vmem>>
            %dma_start3A_195 = tpu.memref_slice %arg2[%select_n3A_184, %add3A_192] : memref<19x1048576xf32, #tpu.memory_space<hbm>> -> memref<1x4096xf32, #tpu.memory_space<hbm>>
            %dma_start3A_196 = tpu.memref_squeeze %dma_start3A_195 : memref<1x4096xf32, #tpu.memory_space<hbm>> -> memref<4096xf32, #tpu.memory_space<hbm>>
            %dma_start3A_197 = arith.constant 0 : i32
            %dma_start3A_198 = tpu.memref_slice %arg4[%dma_start3A_197] : memref<8192xf32, #tpu.memory_space<vmem>> -> memref<4096xf32, #tpu.memory_space<vmem>>
            %dma_start3A_199 = tpu.memref_slice %arg2[%select_n3A_184, %add3A_192] : memref<19x1048576xf32, #tpu.memory_space<hbm>> -> memref<1x4096xf32, #tpu.memory_space<hbm>>
            %dma_start3A_200 = tpu.memref_squeeze %dma_start3A_199 : memref<1x4096xf32, #tpu.memory_space<hbm>> -> memref<4096xf32, #tpu.memory_space<hbm>>
            tpu.enqueue_dma source(%dma_start3A_200 : memref<4096xf32, #tpu.memory_space<hbm>>) target(%dma_start3A_198 : memref<4096xf32, #tpu.memory_space<vmem>>) target_semaphore(%arg8 : memref<!tpu.dma_semaphore, #tpu.memory_space<semaphore_mem>>)
          } else {
          }
          %jit3A_143 = arith.constant 2 : i32
          %eq3A_144 = arith.constant 0 : i32
          %eq3A_145 = arith.cmpi eq, %jit3A_143, %eq3A_144 : i32
          %jit3A_146 = arith.constant 1 : i32
          %select_n3A_147 = arith.select %eq3A_145, %jit3A_146, %jit3A_143 : i32
          %rem3A_148 = arith.remsi %add3A_121, %select_n3A_147 : i32
          %ne3A_149 = arith.constant 0 : i32
          %ne3A_150 = arith.cmpi ne, %rem3A_148, %ne3A_149 : i32
          %lt3A_151 = arith.constant 0 : i32
          %lt3A_152 = arith.cmpi slt, %rem3A_148, %lt3A_151 : i32
          %lt3A_153 = arith.constant 0 : i32
          %lt3A_154 = arith.cmpi slt, %select_n3A_147, %lt3A_153 : i32
          %ne3A_155 = arith.xori %lt3A_152, %lt3A_154 : i1
          %and3A_156 = arith.andi %ne3A_155, %ne3A_150 : i1
          %add3A_157 = arith.addi %rem3A_148, %select_n3A_147 : i32
          %select_n3A_158 = arith.select %and3A_156, %add3A_157, %rem3A_148 : i32
          %eq3A_159 = arith.constant 1 : i32
          %eq3A_160 = arith.cmpi eq, %select_n3A_158, %eq3A_159 : i32
          %convert_element_type3A_161 = arith.extui %eq3A_160 : i1 to i32
          %cond3A_162 = arith.constant 0 : i32
          %cond3A_163 = arith.cmpi ne, %convert_element_type3A_161, %cond3A_162 : i32
          scf.if %cond3A_163 {
            %jit3A_164 = arith.constant 8 : i32
            %div3A = arith.divsi %add3A_121, %jit3A_164 : i32
            %sign3A = arith.constant 0 : i32
            %sign3A_165 = arith.cmpi sgt, %add3A_121, %sign3A : i32
            %sign3A_166 = arith.extui %sign3A_165 : i1 to i32
            %sign3A_167 = arith.constant 0 : i32
            %sign3A_168 = arith.cmpi slt, %add3A_121, %sign3A_167 : i32
            %sign3A_169 = arith.extui %sign3A_168 : i1 to i32
            %sign3A_170 = arith.subi %sign3A_166, %sign3A_169 : i32
            %sign3A_171 = arith.constant 0 : i32
            %sign3A_172 = arith.cmpi sgt, %jit3A_164, %sign3A_171 : i32
            %sign3A_173 = arith.extui %sign3A_172 : i1 to i32
            %sign3A_174 = arith.constant 0 : i32
            %sign3A_175 = arith.cmpi slt, %jit3A_164, %sign3A_174 : i32
            %sign3A_176 = arith.extui %sign3A_175 : i1 to i32
            %sign3A_177 = arith.subi %sign3A_173, %sign3A_176 : i32
            %ne3A_178 = arith.cmpi ne, %sign3A_170, %sign3A_177 : i32
            %rem3A_179 = arith.remsi %add3A_121, %jit3A_164 : i32
            %ne3A_180 = arith.constant 0 : i32
            %ne3A_181 = arith.cmpi ne, %rem3A_179, %ne3A_180 : i32
            %and3A_182 = arith.andi %ne3A_178, %ne3A_181 : i1
            %sub3A = arith.constant 1 : i32
            %sub3A_183 = arith.subi %div3A, %sub3A : i32
            %select_n3A_184 = arith.select %and3A_182, %sub3A_183, %div3A : i32
            %mul3A_185 = arith.constant 8 : i32
            %mul3A_186 = arith.muli %select_n3A_184, %mul3A_185 : i32
            %sub3A_187 = arith.subi %add3A_121, %mul3A_186 : i32
            %mul3A_188 = arith.constant 32768 : i32
            %mul3A_189 = arith.muli %add3A, %mul3A_188 : i32
            %mul3A_190 = arith.constant 4096 : i32
            %mul3A_191 = arith.muli %sub3A_187, %mul3A_190 : i32
            %add3A_192 = arith.addi %mul3A_189, %mul3A_191 : i32
            %dma_start3A_193 = arith.constant 4096 : i32
            %dma_start3A_194 = tpu.memref_slice %arg4[%dma_start3A_193] : memref<8192xf32, #tpu.memory_space<vmem>> -> memref<4096xf32, #tpu.memory_space<vmem>>
            %dma_start3A_195 = tpu.memref_slice %arg2[%select_n3A_184, %add3A_192] : memref<19x1048576xf32, #tpu.memory_space<hbm>> -> memref<1x4096xf32, #tpu.memory_space<hbm>>
            %dma_start3A_196 = tpu.memref_squeeze %dma_start3A_195 : memref<1x4096xf32, #tpu.memory_space<hbm>> -> memref<4096xf32, #tpu.memory_space<hbm>>
            %dma_start3A_197 = arith.constant 4096 : i32
            %dma_start3A_198 = tpu.memref_slice %arg4[%dma_start3A_197] : memref<8192xf32, #tpu.memory_space<vmem>> -> memref<4096xf32, #tpu.memory_space<vmem>>
            %dma_start3A_199 = tpu.memref_slice %arg2[%select_n3A_184, %add3A_192] : memref<19x1048576xf32, #tpu.memory_space<hbm>> -> memref<1x4096xf32, #tpu.memory_space<hbm>>
            %dma_start3A_200 = tpu.memref_squeeze %dma_start3A_199 : memref<1x4096xf32, #tpu.memory_space<hbm>> -> memref<4096xf32, #tpu.memory_space<hbm>>
            tpu.enqueue_dma source(%dma_start3A_200 : memref<4096xf32, #tpu.memory_space<hbm>>) target(%dma_start3A_198 : memref<4096xf32, #tpu.memory_space<vmem>>) target_semaphore(%arg9 : memref<!tpu.dma_semaphore, #tpu.memory_space<semaphore_mem>>)
          } else {
          }
        } else {
        }
        %jit3A = arith.constant 2 : i32
        %eq3A = arith.constant 0 : i32
        %eq3A_58 = arith.cmpi eq, %jit3A, %eq3A : i32
        %jit3A_59 = arith.constant 1 : i32
        %select_n3A = arith.select %eq3A_58, %jit3A_59, %jit3A : i32
        %rem3A = arith.remsi %add3A_53, %select_n3A : i32
        %ne3A = arith.constant 0 : i32
        %ne3A_60 = arith.cmpi ne, %rem3A, %ne3A : i32
        %lt3A_61 = arith.constant 0 : i32
        %lt3A_62 = arith.cmpi slt, %rem3A, %lt3A_61 : i32
        %lt3A_63 = arith.constant 0 : i32
        %lt3A_64 = arith.cmpi slt, %select_n3A, %lt3A_63 : i32
        %ne3A_65 = arith.xori %lt3A_62, %lt3A_64 : i1
        %and3A = arith.andi %ne3A_65, %ne3A_60 : i1
        %add3A_66 = arith.addi %rem3A, %select_n3A : i32
        %select_n3A_67 = arith.select %and3A, %add3A_66, %rem3A : i32
        %eq3A_68 = arith.constant 0 : i32
        %eq3A_69 = arith.cmpi eq, %select_n3A_67, %eq3A_68 : i32
        %convert_element_type3A_70 = arith.extui %eq3A_69 : i1 to i32
        %cond3A_71 = arith.constant 0 : i32
        %cond3A_72 = arith.cmpi ne, %convert_element_type3A_70, %cond3A_71 : i32
        scf.if %cond3A_72 {
          %jit3A_120 = arith.constant 8 : i32
          %div3A = arith.divsi %add3A_53, %jit3A_120 : i32
          %sign3A = arith.constant 0 : i32
          %sign3A_121 = arith.cmpi sgt, %add3A_53, %sign3A : i32
          %sign3A_122 = arith.extui %sign3A_121 : i1 to i32
          %sign3A_123 = arith.constant 0 : i32
          %sign3A_124 = arith.cmpi slt, %add3A_53, %sign3A_123 : i32
          %sign3A_125 = arith.extui %sign3A_124 : i1 to i32
          %sign3A_126 = arith.subi %sign3A_122, %sign3A_125 : i32
          %sign3A_127 = arith.constant 0 : i32
          %sign3A_128 = arith.cmpi sgt, %jit3A_120, %sign3A_127 : i32
          %sign3A_129 = arith.extui %sign3A_128 : i1 to i32
          %sign3A_130 = arith.constant 0 : i32
          %sign3A_131 = arith.cmpi slt, %jit3A_120, %sign3A_130 : i32
          %sign3A_132 = arith.extui %sign3A_131 : i1 to i32
          %sign3A_133 = arith.subi %sign3A_129, %sign3A_132 : i32
          %ne3A_134 = arith.cmpi ne, %sign3A_126, %sign3A_133 : i32
          %rem3A_135 = arith.remsi %add3A_53, %jit3A_120 : i32
          %ne3A_136 = arith.constant 0 : i32
          %ne3A_137 = arith.cmpi ne, %rem3A_135, %ne3A_136 : i32
          %and3A_138 = arith.andi %ne3A_134, %ne3A_137 : i1
          %sub3A = arith.constant 1 : i32
          %sub3A_139 = arith.subi %div3A, %sub3A : i32
          %select_n3A_140 = arith.select %and3A_138, %sub3A_139, %div3A : i32
          %mul3A_141 = arith.constant 8 : i32
          %mul3A_142 = arith.muli %select_n3A_140, %mul3A_141 : i32
          %sub3A_143 = arith.subi %add3A_53, %mul3A_142 : i32
          %mul3A_144 = arith.constant 32768 : i32
          %mul3A_145 = arith.muli %add3A, %mul3A_144 : i32
          %mul3A_146 = arith.constant 4096 : i32
          %mul3A_147 = arith.muli %sub3A_143, %mul3A_146 : i32
          %add3A_148 = arith.addi %mul3A_145, %mul3A_147 : i32
          %dma_wait3A = arith.constant 0 : i32
          %dma_wait3A_149 = tpu.memref_slice %arg4[%dma_wait3A] : memref<8192xf32, #tpu.memory_space<vmem>> -> memref<4096xf32, #tpu.memory_space<vmem>>
          %dma_wait3A_150 = tpu.memref_slice %arg2[%select_n3A_140, %add3A_148] : memref<19x1048576xf32, #tpu.memory_space<hbm>> -> memref<1x4096xf32, #tpu.memory_space<hbm>>
          %dma_wait3A_151 = tpu.memref_squeeze %dma_wait3A_150 : memref<1x4096xf32, #tpu.memory_space<hbm>> -> memref<4096xf32, #tpu.memory_space<hbm>>
          %dma_wait3A_152 = arith.constant 0 : i32
          %dma_wait3A_153 = tpu.memref_slice %arg4[%dma_wait3A_152] : memref<8192xf32, #tpu.memory_space<vmem>> -> memref<4096xf32, #tpu.memory_space<vmem>>
          %dma_wait3A_154 = tpu.memref_slice %arg2[%select_n3A_140, %add3A_148] : memref<19x1048576xf32, #tpu.memory_space<hbm>> -> memref<1x4096xf32, #tpu.memory_space<hbm>>
          %dma_wait3A_155 = tpu.memref_squeeze %dma_wait3A_154 : memref<1x4096xf32, #tpu.memory_space<hbm>> -> memref<4096xf32, #tpu.memory_space<hbm>>
          tpu.wait_dma2 semaphore(%arg8 : memref<!tpu.dma_semaphore, #tpu.memory_space<semaphore_mem>>) src(%dma_wait3A_155 : memref<4096xf32, #tpu.memory_space<hbm>>) dst(%dma_wait3A_153 : memref<4096xf32, #tpu.memory_space<vmem>>)
        } else {
        }
        %jit3A_73 = arith.constant 2 : i32
        %eq3A_74 = arith.constant 0 : i32
        %eq3A_75 = arith.cmpi eq, %jit3A_73, %eq3A_74 : i32
        %jit3A_76 = arith.constant 1 : i32
        %select_n3A_77 = arith.select %eq3A_75, %jit3A_76, %jit3A_73 : i32
        %rem3A_78 = arith.remsi %add3A_53, %select_n3A_77 : i32
        %ne3A_79 = arith.constant 0 : i32
        %ne3A_80 = arith.cmpi ne, %rem3A_78, %ne3A_79 : i32
        %lt3A_81 = arith.constant 0 : i32
        %lt3A_82 = arith.cmpi slt, %rem3A_78, %lt3A_81 : i32
        %lt3A_83 = arith.constant 0 : i32
        %lt3A_84 = arith.cmpi slt, %select_n3A_77, %lt3A_83 : i32
        %ne3A_85 = arith.xori %lt3A_82, %lt3A_84 : i1
        %and3A_86 = arith.andi %ne3A_85, %ne3A_80 : i1
        %add3A_87 = arith.addi %rem3A_78, %select_n3A_77 : i32
        %select_n3A_88 = arith.select %and3A_86, %add3A_87, %rem3A_78 : i32
        %eq3A_89 = arith.constant 1 : i32
        %eq3A_90 = arith.cmpi eq, %select_n3A_88, %eq3A_89 : i32
        %convert_element_type3A_91 = arith.extui %eq3A_90 : i1 to i32
        %cond3A_92 = arith.constant 0 : i32
        %cond3A_93 = arith.cmpi ne, %convert_element_type3A_91, %cond3A_92 : i32
        scf.if %cond3A_93 {
          %jit3A_120 = arith.constant 8 : i32
          %div3A = arith.divsi %add3A_53, %jit3A_120 : i32
          %sign3A = arith.constant 0 : i32
          %sign3A_121 = arith.cmpi sgt, %add3A_53, %sign3A : i32
          %sign3A_122 = arith.extui %sign3A_121 : i1 to i32
          %sign3A_123 = arith.constant 0 : i32
          %sign3A_124 = arith.cmpi slt, %add3A_53, %sign3A_123 : i32
          %sign3A_125 = arith.extui %sign3A_124 : i1 to i32
          %sign3A_126 = arith.subi %sign3A_122, %sign3A_125 : i32
          %sign3A_127 = arith.constant 0 : i32
          %sign3A_128 = arith.cmpi sgt, %jit3A_120, %sign3A_127 : i32
          %sign3A_129 = arith.extui %sign3A_128 : i1 to i32
          %sign3A_130 = arith.constant 0 : i32
          %sign3A_131 = arith.cmpi slt, %jit3A_120, %sign3A_130 : i32
          %sign3A_132 = arith.extui %sign3A_131 : i1 to i32
          %sign3A_133 = arith.subi %sign3A_129, %sign3A_132 : i32
          %ne3A_134 = arith.cmpi ne, %sign3A_126, %sign3A_133 : i32
          %rem3A_135 = arith.remsi %add3A_53, %jit3A_120 : i32
          %ne3A_136 = arith.constant 0 : i32
          %ne3A_137 = arith.cmpi ne, %rem3A_135, %ne3A_136 : i32
          %and3A_138 = arith.andi %ne3A_134, %ne3A_137 : i1
          %sub3A = arith.constant 1 : i32
          %sub3A_139 = arith.subi %div3A, %sub3A : i32
          %select_n3A_140 = arith.select %and3A_138, %sub3A_139, %div3A : i32
          %mul3A_141 = arith.constant 8 : i32
          %mul3A_142 = arith.muli %select_n3A_140, %mul3A_141 : i32
          %sub3A_143 = arith.subi %add3A_53, %mul3A_142 : i32
          %mul3A_144 = arith.constant 32768 : i32
          %mul3A_145 = arith.muli %add3A, %mul3A_144 : i32
          %mul3A_146 = arith.constant 4096 : i32
          %mul3A_147 = arith.muli %sub3A_143, %mul3A_146 : i32
          %add3A_148 = arith.addi %mul3A_145, %mul3A_147 : i32
          %dma_wait3A = arith.constant 4096 : i32
          %dma_wait3A_149 = tpu.memref_slice %arg4[%dma_wait3A] : memref<8192xf32, #tpu.memory_space<vmem>> -> memref<4096xf32, #tpu.memory_space<vmem>>
          %dma_wait3A_150 = tpu.memref_slice %arg2[%select_n3A_140, %add3A_148] : memref<19x1048576xf32, #tpu.memory_space<hbm>> -> memref<1x4096xf32, #tpu.memory_space<hbm>>
          %dma_wait3A_151 = tpu.memref_squeeze %dma_wait3A_150 : memref<1x4096xf32, #tpu.memory_space<hbm>> -> memref<4096xf32, #tpu.memory_space<hbm>>
          %dma_wait3A_152 = arith.constant 4096 : i32
          %dma_wait3A_153 = tpu.memref_slice %arg4[%dma_wait3A_152] : memref<8192xf32, #tpu.memory_space<vmem>> -> memref<4096xf32, #tpu.memory_space<vmem>>
          %dma_wait3A_154 = tpu.memref_slice %arg2[%select_n3A_140, %add3A_148] : memref<19x1048576xf32, #tpu.memory_space<hbm>> -> memref<1x4096xf32, #tpu.memory_space<hbm>>
          %dma_wait3A_155 = tpu.memref_squeeze %dma_wait3A_154 : memref<1x4096xf32, #tpu.memory_space<hbm>> -> memref<4096xf32, #tpu.memory_space<hbm>>
          tpu.wait_dma2 semaphore(%arg9 : memref<!tpu.dma_semaphore, #tpu.memory_space<semaphore_mem>>) src(%dma_wait3A_155 : memref<4096xf32, #tpu.memory_space<hbm>>) dst(%dma_wait3A_153 : memref<4096xf32, #tpu.memory_space<vmem>>)
        } else {
        }
        %jit3A_94 = arith.constant 2 : i32
        %eq3A_95 = arith.constant 0 : i32
        %eq3A_96 = arith.cmpi eq, %jit3A_94, %eq3A_95 : i32
        %jit3A_97 = arith.constant 1 : i32
        %select_n3A_98 = arith.select %eq3A_96, %jit3A_97, %jit3A_94 : i32
        %rem3A_99 = arith.remsi %add3A_53, %select_n3A_98 : i32
        %ne3A_100 = arith.constant 0 : i32
        %ne3A_101 = arith.cmpi ne, %rem3A_99, %ne3A_100 : i32
        %lt3A_102 = arith.constant 0 : i32
        %lt3A_103 = arith.cmpi slt, %rem3A_99, %lt3A_102 : i32
        %lt3A_104 = arith.constant 0 : i32
        %lt3A_105 = arith.cmpi slt, %select_n3A_98, %lt3A_104 : i32
        %ne3A_106 = arith.xori %lt3A_103, %lt3A_105 : i1
        %and3A_107 = arith.andi %ne3A_106, %ne3A_101 : i1
        %add3A_108 = arith.addi %rem3A_99, %select_n3A_98 : i32
        %select_n3A_109 = arith.select %and3A_107, %add3A_108, %rem3A_99 : i32
        %mul3A_110 = arith.constant 4096 : i32
        %mul3A_111 = arith.muli %select_n3A_109, %mul3A_110 : i32
        %scan3A_112 = arith.constant 0 : i32
        %scan3A_113 = arith.constant 0 : i32
        %scan3A_114 = arith.constant 64 : i32
        %scan3A_115 = arith.addi %scan3A_113, %scan3A_114 : i32
        %scan3A_116 = arith.constant 1 : i32
        %scan3A_117 = scf.for %scan3A_120 = %scan3A_113 to %scan3A_115 step %scan3A_116 iter_args(%scan3A_121 = %scan3A_112) -> (i32)  : i32 {
          %mul3A_122 = arith.constant 4 : i32
          %mul3A_123 = arith.muli %scan3A_120, %mul3A_122 : i32
          %add3A_124 = arith.constant 0 : i32
          %add3A_125 = arith.addi %mul3A_123, %add3A_124 : i32
          %mul3A_126 = arith.constant 16 : i32
          %mul3A_127 = arith.muli %add3A_125, %mul3A_126 : i32
          %add3A_128 = arith.addi %mul3A_111, %mul3A_127 : i32
          %get3A = arith.index_cast %add3A_128 : i32 to index
          %get3A_129 = tpu.vector_load %arg4[%get3A] {strides = array<i32>} : memref<8192xf32, #tpu.memory_space<vmem>>, vector<16xf32>,
          %bitcast3A = vector.bitcast %get3A_129 : vector<16xf32> to vector<16xi32>
          %shift_right_logical3A = arith.constant 31 : i32
          %shift_right_logical3A_130 = vector.broadcast %shift_right_logical3A : i32 to vector<16xi32>
          %shift_right_logical3A_131 = arith.shrui %bitcast3A, %shift_right_logical3A_130 : vector<16xi32>
          %shift_left3A = arith.constant 16 : i32
          %shift_left3A_132 = vector.broadcast %shift_left3A : i32 to vector<16xi32>
          %shift_left3A_133 = arith.shli %shift_right_logical3A_131, %shift_left3A_132 : vector<16xi32>
          %add3A_134 = arith.addi %shift_left3A_133, %broadcast_in_dim3A_6 : vector<16xi32>
          %bitcast3A_135 = vector.bitcast %add3A_134 : vector<16xi32> to vector<16xi32>
          %abs3A = math.absf %get3A_129 : vector<16xf32>
          %mul3A_136 = arith.constant 2.048000e+03 : f32
          %mul3A_137 = vector.broadcast %mul3A_136 : f32 to vector<16xf32>
          %mul3A_138 = arith.mulf %abs3A, %mul3A_137 : vector<16xf32>
          %convert_element_type3A_139 = arith.fptosi %mul3A_138 : vector<16xf32> to vector<16xi32>
          %min3A = arith.constant 2047 : i32
          %min3A_140 = vector.broadcast %min3A : i32 to vector<16xi32>
          %min3A_141 = arith.minsi %convert_element_type3A_139, %min3A_140 : vector<16xi32>
          %add3A_142 = arith.addi %min3A_141, %mul3A_4 : vector<16xi32>
          tpu.vector_store_idx %arg5[%add3A_142], %bitcast3A_135 {add = true} : memref<32768xi32, #tpu.memory_space<vmem>>[vector<16xi32>], vector<16xi32>,
          %mul3A_143 = arith.constant 4 : i32
          %mul3A_144 = arith.muli %scan3A_120, %mul3A_143 : i32
          %add3A_145 = arith.constant 1 : i32
          %add3A_146 = arith.addi %mul3A_144, %add3A_145 : i32
          %mul3A_147 = arith.constant 16 : i32
          %mul3A_148 = arith.muli %add3A_146, %mul3A_147 : i32
          %add3A_149 = arith.addi %mul3A_111, %mul3A_148 : i32
          %get3A_150 = arith.index_cast %add3A_149 : i32 to index
          %get3A_151 = tpu.vector_load %arg4[%get3A_150] {strides = array<i32>} : memref<8192xf32, #tpu.memory_space<vmem>>, vector<16xf32>,
          %bitcast3A_152 = vector.bitcast %get3A_151 : vector<16xf32> to vector<16xi32>
          %shift_right_logical3A_153 = arith.constant 31 : i32
          %shift_right_logical3A_154 = vector.broadcast %shift_right_logical3A_153 : i32 to vector<16xi32>
          %shift_right_logical3A_155 = arith.shrui %bitcast3A_152, %shift_right_logical3A_154 : vector<16xi32>
          %shift_left3A_156 = arith.constant 16 : i32
          %shift_left3A_157 = vector.broadcast %shift_left3A_156 : i32 to vector<16xi32>
          %shift_left3A_158 = arith.shli %shift_right_logical3A_155, %shift_left3A_157 : vector<16xi32>
          %add3A_159 = arith.addi %shift_left3A_158, %broadcast_in_dim3A_6 : vector<16xi32>
          %bitcast3A_160 = vector.bitcast %add3A_159 : vector<16xi32> to vector<16xi32>
          %abs3A_161 = math.absf %get3A_151 : vector<16xf32>
          %mul3A_162 = arith.constant 2.048000e+03 : f32
          %mul3A_163 = vector.broadcast %mul3A_162 : f32 to vector<16xf32>
          %mul3A_164 = arith.mulf %abs3A_161, %mul3A_163 : vector<16xf32>
          %convert_element_type3A_165 = arith.fptosi %mul3A_164 : vector<16xf32> to vector<16xi32>
          %min3A_166 = arith.constant 2047 : i32
          %min3A_167 = vector.broadcast %min3A_166 : i32 to vector<16xi32>
          %min3A_168 = arith.minsi %convert_element_type3A_165, %min3A_167 : vector<16xi32>
          %add3A_169 = arith.addi %min3A_168, %mul3A_4 : vector<16xi32>
          tpu.vector_store_idx %arg6[%add3A_169], %bitcast3A_160 {add = true} : memref<32768xi32, #tpu.memory_space<vmem>>[vector<16xi32>], vector<16xi32>,
          %mul3A_170 = arith.constant 4 : i32
          %mul3A_171 = arith.muli %scan3A_120, %mul3A_170 : i32
          %add3A_172 = arith.constant 2 : i32
          %add3A_173 = arith.addi %mul3A_171, %add3A_172 : i32
          %mul3A_174 = arith.constant 16 : i32
          %mul3A_175 = arith.muli %add3A_173, %mul3A_174 : i32
          %add3A_176 = arith.addi %mul3A_111, %mul3A_175 : i32
          %get3A_177 = arith.index_cast %add3A_176 : i32 to index
          %get3A_178 = tpu.vector_load %arg4[%get3A_177] {strides = array<i32>} : memref<8192xf32, #tpu.memory_space<vmem>>, vector<16xf32>,
          %bitcast3A_179 = vector.bitcast %get3A_178 : vector<16xf32> to vector<16xi32>
          %shift_right_logical3A_180 = arith.constant 31 : i32
          %shift_right_logical3A_181 = vector.broadcast %shift_right_logical3A_180 : i32 to vector<16xi32>
          %shift_right_logical3A_182 = arith.shrui %bitcast3A_179, %shift_right_logical3A_181 : vector<16xi32>
          %shift_left3A_183 = arith.constant 16 : i32
          %shift_left3A_184 = vector.broadcast %shift_left3A_183 : i32 to vector<16xi32>
          %shift_left3A_185 = arith.shli %shift_right_logical3A_182, %shift_left3A_184 : vector<16xi32>
          %add3A_186 = arith.addi %shift_left3A_185, %broadcast_in_dim3A_6 : vector<16xi32>
          %bitcast3A_187 = vector.bitcast %add3A_186 : vector<16xi32> to vector<16xi32>
          %abs3A_188 = math.absf %get3A_178 : vector<16xf32>
          %mul3A_189 = arith.constant 2.048000e+03 : f32
          %mul3A_190 = vector.broadcast %mul3A_189 : f32 to vector<16xf32>
          %mul3A_191 = arith.mulf %abs3A_188, %mul3A_190 : vector<16xf32>
          %convert_element_type3A_192 = arith.fptosi %mul3A_191 : vector<16xf32> to vector<16xi32>
          %min3A_193 = arith.constant 2047 : i32
          %min3A_194 = vector.broadcast %min3A_193 : i32 to vector<16xi32>
          %min3A_195 = arith.minsi %convert_element_type3A_192, %min3A_194 : vector<16xi32>
          %add3A_196 = arith.addi %min3A_195, %mul3A_4 : vector<16xi32>
          tpu.vector_store_idx %arg5[%add3A_196], %bitcast3A_187 {add = true} : memref<32768xi32, #tpu.memory_space<vmem>>[vector<16xi32>], vector<16xi32>,
          %mul3A_197 = arith.constant 4 : i32
          %mul3A_198 = arith.muli %scan3A_120, %mul3A_197 : i32
          %add3A_199 = arith.constant 3 : i32
          %add3A_200 = arith.addi %mul3A_198, %add3A_199 : i32
          %mul3A_201 = arith.constant 16 : i32
          %mul3A_202 = arith.muli %add3A_200, %mul3A_201 : i32
          %add3A_203 = arith.addi %mul3A_111, %mul3A_202 : i32
          %get3A_204 = arith.index_cast %add3A_203 : i32 to index
          %get3A_205 = tpu.vector_load %arg4[%get3A_204] {strides = array<i32>} : memref<8192xf32, #tpu.memory_space<vmem>>, vector<16xf32>,
          %bitcast3A_206 = vector.bitcast %get3A_205 : vector<16xf32> to vector<16xi32>
          %shift_right_logical3A_207 = arith.constant 31 : i32
          %shift_right_logical3A_208 = vector.broadcast %shift_right_logical3A_207 : i32 to vector<16xi32>
          %shift_right_logical3A_209 = arith.shrui %bitcast3A_206, %shift_right_logical3A_208 : vector<16xi32>
          %shift_left3A_210 = arith.constant 16 : i32
          %shift_left3A_211 = vector.broadcast %shift_left3A_210 : i32 to vector<16xi32>
          %shift_left3A_212 = arith.shli %shift_right_logical3A_209, %shift_left3A_211 : vector<16xi32>
          %add3A_213 = arith.addi %shift_left3A_212, %broadcast_in_dim3A_6 : vector<16xi32>
          %bitcast3A_214 = vector.bitcast %add3A_213 : vector<16xi32> to vector<16xi32>
          %abs3A_215 = math.absf %get3A_205 : vector<16xf32>
          %mul3A_216 = arith.constant 2.048000e+03 : f32
          %mul3A_217 = vector.broadcast %mul3A_216 : f32 to vector<16xf32>
          %mul3A_218 = arith.mulf %abs3A_215, %mul3A_217 : vector<16xf32>
          %convert_element_type3A_219 = arith.fptosi %mul3A_218 : vector<16xf32> to vector<16xi32>
          %min3A_220 = arith.constant 2047 : i32
          %min3A_221 = vector.broadcast %min3A_220 : i32 to vector<16xi32>
          %min3A_222 = arith.minsi %convert_element_type3A_219, %min3A_221 : vector<16xi32>
          %add3A_223 = arith.addi %min3A_222, %mul3A_4 : vector<16xi32>
          tpu.vector_store_idx %arg6[%add3A_223], %bitcast3A_214 {add = true} : memref<32768xi32, #tpu.memory_space<vmem>>[vector<16xi32>], vector<16xi32>,
          %scan3A_224 = arith.constant 0 : i32
          scf.yield %scan3A_224 : i32
        }
        %scan3A_118 = arith.constant 64 : i32
        %scan3A_119 = arith.constant 0 : i32
        scf.yield %scan3A_119 : i32
      }
      %scan3A_40 = arith.constant 8 : i32
      %scan3A_41 = arith.constant 0 : i32
      %scan3A_42 = arith.constant 0 : i32
      %scan3A_43 = arith.constant 128 : i32
      %scan3A_44 = arith.addi %scan3A_42, %scan3A_43 : i32
      %scan3A_45 = arith.constant 1 : i32
      %scan3A_46 = scf.for %scan3A_49 = %scan3A_42 to %scan3A_44 step %scan3A_45 iter_args(%scan3A_50 = %scan3A_41) -> (i32)  : i32 {
        %mul3A_51 = arith.constant 16 : i32
        %mul3A_52 = arith.muli %scan3A_49, %mul3A_51 : i32
        %add3A_53 = arith.constant 0 : i32
        %add3A_54 = arith.addi %add3A_53, %mul3A_52 : i32
        %get3A = arith.index_cast %add3A_54 : i32 to index
        %get3A_55 = tpu.vector_load %arg5[%get3A] {strides = array<i32>} : memref<32768xi32, #tpu.memory_space<vmem>>, vector<16xi32>,
        %add3A_56 = arith.addi %broadcast_in_dim3A_1, %get3A_55 : vector<16xi32>
        %get3A_57 = arith.index_cast %add3A_54 : i32 to index
        %get3A_58 = tpu.vector_load %arg6[%get3A_57] {strides = array<i32>} : memref<32768xi32, #tpu.memory_space<vmem>>, vector<16xi32>,
        %add3A_59 = arith.addi %add3A_56, %get3A_58 : vector<16xi32>
        %swap3A = arith.index_cast %add3A_54 : i32 to index
        %swap3A_60 = tpu.vector_load %arg5[%swap3A] {strides = array<i32>} : memref<32768xi32, #tpu.memory_space<vmem>>, vector<16xi32>,
        tpu.vector_store %arg5[%swap3A], %broadcast_in_dim3A_1 {strides = array<i32>} : memref<32768xi32, #tpu.memory_space<vmem>>, vector<16xi32>,
        %swap3A_61 = arith.index_cast %add3A_54 : i32 to index
        %swap3A_62 = tpu.vector_load %arg6[%swap3A_61] {strides = array<i32>} : memref<32768xi32, #tpu.memory_space<vmem>>, vector<16xi32>,
        tpu.vector_store %arg6[%swap3A_61], %broadcast_in_dim3A_1 {strides = array<i32>} : memref<32768xi32, #tpu.memory_space<vmem>>, vector<16xi32>,
        %mul3A_63 = arith.constant 16 : i32
        %mul3A_64 = arith.muli %scan3A_49, %mul3A_63 : i32
        %add3A_65 = arith.constant 2048 : i32
        %add3A_66 = arith.addi %add3A_65, %mul3A_64 : i32
        %get3A_67 = arith.index_cast %add3A_66 : i32 to index
        %get3A_68 = tpu.vector_load %arg5[%get3A_67] {strides = array<i32>} : memref<32768xi32, #tpu.memory_space<vmem>>, vector<16xi32>,
        %add3A_69 = arith.addi %add3A_59, %get3A_68 : vector<16xi32>
        %get3A_70 = arith.index_cast %add3A_66 : i32 to index
        %get3A_71 = tpu.vector_load %arg6[%get3A_70] {strides = array<i32>} : memref<32768xi32, #tpu.memory_space<vmem>>, vector<16xi32>,
        %add3A_72 = arith.addi %add3A_69, %get3A_71 : vector<16xi32>
        %swap3A_73 = arith.index_cast %add3A_66 : i32 to index
        %swap3A_74 = tpu.vector_load %arg5[%swap3A_73] {strides = array<i32>} : memref<32768xi32, #tpu.memory_space<vmem>>, vector<16xi32>,
        tpu.vector_store %arg5[%swap3A_73], %broadcast_in_dim3A_1 {strides = array<i32>} : memref<32768xi32, #tpu.memory_space<vmem>>, vector<16xi32>,
        %swap3A_75 = arith.index_cast %add3A_66 : i32 to index
        %swap3A_76 = tpu.vector_load %arg6[%swap3A_75] {strides = array<i32>} : memref<32768xi32, #tpu.memory_space<vmem>>, vector<16xi32>,
        tpu.vector_store %arg6[%swap3A_75], %broadcast_in_dim3A_1 {strides = array<i32>} : memref<32768xi32, #tpu.memory_space<vmem>>, vector<16xi32>,
        %mul3A_77 = arith.constant 16 : i32
        %mul3A_78 = arith.muli %scan3A_49, %mul3A_77 : i32
        %add3A_79 = arith.constant 4096 : i32
        %add3A_80 = arith.addi %add3A_79, %mul3A_78 : i32
        %get3A_81 = arith.index_cast %add3A_80 : i32 to index
        %get3A_82 = tpu.vector_load %arg5[%get3A_81] {strides = array<i32>} : memref<32768xi32, #tpu.memory_space<vmem>>, vector<16xi32>,
        %add3A_83 = arith.addi %add3A_72, %get3A_82 : vector<16xi32>
        %get3A_84 = arith.index_cast %add3A_80 : i32 to index
        %get3A_85 = tpu.vector_load %arg6[%get3A_84] {strides = array<i32>} : memref<32768xi32, #tpu.memory_space<vmem>>, vector<16xi32>,
        %add3A_86 = arith.addi %add3A_83, %get3A_85 : vector<16xi32>
        %swap3A_87 = arith.index_cast %add3A_80 : i32 to index
        %swap3A_88 = tpu.vector_load %arg5[%swap3A_87] {strides = array<i32>} : memref<32768xi32, #tpu.memory_space<vmem>>, vector<16xi32>,
        tpu.vector_store %arg5[%swap3A_87], %broadcast_in_dim3A_1 {strides = array<i32>} : memref<32768xi32, #tpu.memory_space<vmem>>, vector<16xi32>,
        %swap3A_89 = arith.index_cast %add3A_80 : i32 to index
        %swap3A_90 = tpu.vector_load %arg6[%swap3A_89] {strides = array<i32>} : memref<32768xi32, #tpu.memory_space<vmem>>, vector<16xi32>,
        tpu.vector_store %arg6[%swap3A_89], %broadcast_in_dim3A_1 {strides = array<i32>} : memref<32768xi32, #tpu.memory_space<vmem>>, vector<16xi32>,
        %mul3A_91 = arith.constant 16 : i32
        %mul3A_92 = arith.muli %scan3A_49, %mul3A_91 : i32
        %add3A_93 = arith.constant 6144 : i32
        %add3A_94 = arith.addi %add3A_93, %mul3A_92 : i32
        %get3A_95 = arith.index_cast %add3A_94 : i32 to index
        %get3A_96 = tpu.vector_load %arg5[%get3A_95] {strides = array<i32>} : memref<32768xi32, #tpu.memory_space<vmem>>, vector<16xi32>,
        %add3A_97 = arith.addi %add3A_86, %get3A_96 : vector<16xi32>
        %get3A_98 = arith.index_cast %add3A_94 : i32 to index
        %get3A_99 = tpu.vector_load %arg6[%get3A_98] {strides = array<i32>} : memref<32768xi32, #tpu.memory_space<vmem>>, vector<16xi32>,
        %add3A_100 = arith.addi %add3A_97, %get3A_99 : vector<16xi32>
        %swap3A_101 = arith.index_cast %add3A_94 : i32 to index
        %swap3A_102 = tpu.vector_load %arg5[%swap3A_101] {strides = array<i32>} : memref<32768xi32, #tpu.memory_space<vmem>>, vector<16xi32>,
        tpu.vector_store %arg5[%swap3A_101], %broadcast_in_dim3A_1 {strides = array<i32>} : memref<32768xi32, #tpu.memory_space<vmem>>, vector<16xi32>,
        %swap3A_103 = arith.index_cast %add3A_94 : i32 to index
        %swap3A_104 = tpu.vector_load %arg6[%swap3A_103] {strides = array<i32>} : memref<32768xi32, #tpu.memory_space<vmem>>, vector<16xi32>,
        tpu.vector_store %arg6[%swap3A_103], %broadcast_in_dim3A_1 {strides = array<i32>} : memref<32768xi32, #tpu.memory_space<vmem>>, vector<16xi32>,
        %mul3A_105 = arith.constant 16 : i32
        %mul3A_106 = arith.muli %scan3A_49, %mul3A_105 : i32
        %add3A_107 = arith.constant 8192 : i32
        %add3A_108 = arith.addi %add3A_107, %mul3A_106 : i32
        %get3A_109 = arith.index_cast %add3A_108 : i32 to index
        %get3A_110 = tpu.vector_load %arg5[%get3A_109] {strides = array<i32>} : memref<32768xi32, #tpu.memory_space<vmem>>, vector<16xi32>,
        %add3A_111 = arith.addi %add3A_100, %get3A_110 : vector<16xi32>
        %get3A_112 = arith.index_cast %add3A_108 : i32 to index
        %get3A_113 = tpu.vector_load %arg6[%get3A_112] {strides = array<i32>} : memref<32768xi32, #tpu.memory_space<vmem>>, vector<16xi32>,
        %add3A_114 = arith.addi %add3A_111, %get3A_113 : vector<16xi32>
        %swap3A_115 = arith.index_cast %add3A_108 : i32 to index
        %swap3A_116 = tpu.vector_load %arg5[%swap3A_115] {strides = array<i32>} : memref<32768xi32, #tpu.memory_space<vmem>>, vector<16xi32>,
        tpu.vector_store %arg5[%swap3A_115], %broadcast_in_dim3A_1 {strides = array<i32>} : memref<32768xi32, #tpu.memory_space<vmem>>, vector<16xi32>,
        %swap3A_117 = arith.index_cast %add3A_108 : i32 to index
        %swap3A_118 = tpu.vector_load %arg6[%swap3A_117] {strides = array<i32>} : memref<32768xi32, #tpu.memory_space<vmem>>, vector<16xi32>,
        tpu.vector_store %arg6[%swap3A_117], %broadcast_in_dim3A_1 {strides = array<i32>} : memref<32768xi32, #tpu.memory_space<vmem>>, vector<16xi32>,
        %mul3A_119 = arith.constant 16 : i32
        %mul3A_120 = arith.muli %scan3A_49, %mul3A_119 : i32
        %add3A_121 = arith.constant 10240 : i32
        %add3A_122 = arith.addi %add3A_121, %mul3A_120 : i32
        %get3A_123 = arith.index_cast %add3A_122 : i32 to index
        %get3A_124 = tpu.vector_load %arg5[%get3A_123] {strides = array<i32>} : memref<32768xi32, #tpu.memory_space<vmem>>, vector<16xi32>,
        %add3A_125 = arith.addi %add3A_114, %get3A_124 : vector<16xi32>
        %get3A_126 = arith.index_cast %add3A_122 : i32 to index
        %get3A_127 = tpu.vector_load %arg6[%get3A_126] {strides = array<i32>} : memref<32768xi32, #tpu.memory_space<vmem>>, vector<16xi32>,
        %add3A_128 = arith.addi %add3A_125, %get3A_127 : vector<16xi32>
        %swap3A_129 = arith.index_cast %add3A_122 : i32 to index
        %swap3A_130 = tpu.vector_load %arg5[%swap3A_129] {strides = array<i32>} : memref<32768xi32, #tpu.memory_space<vmem>>, vector<16xi32>,
        tpu.vector_store %arg5[%swap3A_129], %broadcast_in_dim3A_1 {strides = array<i32>} : memref<32768xi32, #tpu.memory_space<vmem>>, vector<16xi32>,
        %swap3A_131 = arith.index_cast %add3A_122 : i32 to index
        %swap3A_132 = tpu.vector_load %arg6[%swap3A_131] {strides = array<i32>} : memref<32768xi32, #tpu.memory_space<vmem>>, vector<16xi32>,
        tpu.vector_store %arg6[%swap3A_131], %broadcast_in_dim3A_1 {strides = array<i32>} : memref<32768xi32, #tpu.memory_space<vmem>>, vector<16xi32>,
        %mul3A_133 = arith.constant 16 : i32
        %mul3A_134 = arith.muli %scan3A_49, %mul3A_133 : i32
        %add3A_135 = arith.constant 12288 : i32
        %add3A_136 = arith.addi %add3A_135, %mul3A_134 : i32
        %get3A_137 = arith.index_cast %add3A_136 : i32 to index
        %get3A_138 = tpu.vector_load %arg5[%get3A_137] {strides = array<i32>} : memref<32768xi32, #tpu.memory_space<vmem>>, vector<16xi32>,
        %add3A_139 = arith.addi %add3A_128, %get3A_138 : vector<16xi32>
        %get3A_140 = arith.index_cast %add3A_136 : i32 to index
        %get3A_141 = tpu.vector_load %arg6[%get3A_140] {strides = array<i32>} : memref<32768xi32, #tpu.memory_space<vmem>>, vector<16xi32>,
        %add3A_142 = arith.addi %add3A_139, %get3A_141 : vector<16xi32>
        %swap3A_143 = arith.index_cast %add3A_136 : i32 to index
        %swap3A_144 = tpu.vector_load %arg5[%swap3A_143] {strides = array<i32>} : memref<32768xi32, #tpu.memory_space<vmem>>, vector<16xi32>,
        tpu.vector_store %arg5[%swap3A_143], %broadcast_in_dim3A_1 {strides = array<i32>} : memref<32768xi32, #tpu.memory_space<vmem>>, vector<16xi32>,
        %swap3A_145 = arith.index_cast %add3A_136 : i32 to index
        %swap3A_146 = tpu.vector_load %arg6[%swap3A_145] {strides = array<i32>} : memref<32768xi32, #tpu.memory_space<vmem>>, vector<16xi32>,
        tpu.vector_store %arg6[%swap3A_145], %broadcast_in_dim3A_1 {strides = array<i32>} : memref<32768xi32, #tpu.memory_space<vmem>>, vector<16xi32>,
        %mul3A_147 = arith.constant 16 : i32
        %mul3A_148 = arith.muli %scan3A_49, %mul3A_147 : i32
        %add3A_149 = arith.constant 14336 : i32
        %add3A_150 = arith.addi %add3A_149, %mul3A_148 : i32
        %get3A_151 = arith.index_cast %add3A_150 : i32 to index
        %get3A_152 = tpu.vector_load %arg5[%get3A_151] {strides = array<i32>} : memref<32768xi32, #tpu.memory_space<vmem>>, vector<16xi32>,
        %add3A_153 = arith.addi %add3A_142, %get3A_152 : vector<16xi32>
        %get3A_154 = arith.index_cast %add3A_150 : i32 to index
        %get3A_155 = tpu.vector_load %arg6[%get3A_154] {strides = array<i32>} : memref<32768xi32, #tpu.memory_space<vmem>>, vector<16xi32>,
        %add3A_156 = arith.addi %add3A_153, %get3A_155 : vector<16xi32>
        %swap3A_157 = arith.index_cast %add3A_150 : i32 to index
        %swap3A_158 = tpu.vector_load %arg5[%swap3A_157] {strides = array<i32>} : memref<32768xi32, #tpu.memory_space<vmem>>, vector<16xi32>,
        tpu.vector_store %arg5[%swap3A_157], %broadcast_in_dim3A_1 {strides = array<i32>} : memref<32768xi32, #tpu.memory_space<vmem>>, vector<16xi32>,
        %swap3A_159 = arith.index_cast %add3A_150 : i32 to index
        %swap3A_160 = tpu.vector_load %arg6[%swap3A_159] {strides = array<i32>} : memref<32768xi32, #tpu.memory_space<vmem>>, vector<16xi32>,
        tpu.vector_store %arg6[%swap3A_159], %broadcast_in_dim3A_1 {strides = array<i32>} : memref<32768xi32, #tpu.memory_space<vmem>>, vector<16xi32>,
        %mul3A_161 = arith.constant 16 : i32
        %mul3A_162 = arith.muli %scan3A_49, %mul3A_161 : i32
        %add3A_163 = arith.constant 16384 : i32
        %add3A_164 = arith.addi %add3A_163, %mul3A_162 : i32
        %get3A_165 = arith.index_cast %add3A_164 : i32 to index
        %get3A_166 = tpu.vector_load %arg5[%get3A_165] {strides = array<i32>} : memref<32768xi32, #tpu.memory_space<vmem>>, vector<16xi32>,
        %add3A_167 = arith.addi %add3A_156, %get3A_166 : vector<16xi32>
        %get3A_168 = arith.index_cast %add3A_164 : i32 to index
        %get3A_169 = tpu.vector_load %arg6[%get3A_168] {strides = array<i32>} : memref<32768xi32, #tpu.memory_space<vmem>>, vector<16xi32>,
        %add3A_170 = arith.addi %add3A_167, %get3A_169 : vector<16xi32>
        %swap3A_171 = arith.index_cast %add3A_164 : i32 to index
        %swap3A_172 = tpu.vector_load %arg5[%swap3A_171] {strides = array<i32>} : memref<32768xi32, #tpu.memory_space<vmem>>, vector<16xi32>,
        tpu.vector_store %arg5[%swap3A_171], %broadcast_in_dim3A_1 {strides = array<i32>} : memref<32768xi32, #tpu.memory_space<vmem>>, vector<16xi32>,
        %swap3A_173 = arith.index_cast %add3A_164 : i32 to index
        %swap3A_174 = tpu.vector_load %arg6[%swap3A_173] {strides = array<i32>} : memref<32768xi32, #tpu.memory_space<vmem>>, vector<16xi32>,
        tpu.vector_store %arg6[%swap3A_173], %broadcast_in_dim3A_1 {strides = array<i32>} : memref<32768xi32, #tpu.memory_space<vmem>>, vector<16xi32>,
        %mul3A_175 = arith.constant 16 : i32
        %mul3A_176 = arith.muli %scan3A_49, %mul3A_175 : i32
        %add3A_177 = arith.constant 18432 : i32
        %add3A_178 = arith.addi %add3A_177, %mul3A_176 : i32
        %get3A_179 = arith.index_cast %add3A_178 : i32 to index
        %get3A_180 = tpu.vector_load %arg5[%get3A_179] {strides = array<i32>} : memref<32768xi32, #tpu.memory_space<vmem>>, vector<16xi32>,
        %add3A_181 = arith.addi %add3A_170, %get3A_180 : vector<16xi32>
        %get3A_182 = arith.index_cast %add3A_178 : i32 to index
        %get3A_183 = tpu.vector_load %arg6[%get3A_182] {strides = array<i32>} : memref<32768xi32, #tpu.memory_space<vmem>>, vector<16xi32>,
        %add3A_184 = arith.addi %add3A_181, %get3A_183 : vector<16xi32>
        %swap3A_185 = arith.index_cast %add3A_178 : i32 to index
        %swap3A_186 = tpu.vector_load %arg5[%swap3A_185] {strides = array<i32>} : memref<32768xi32, #tpu.memory_space<vmem>>, vector<16xi32>,
        tpu.vector_store %arg5[%swap3A_185], %broadcast_in_dim3A_1 {strides = array<i32>} : memref<32768xi32, #tpu.memory_space<vmem>>, vector<16xi32>,
        %swap3A_187 = arith.index_cast %add3A_178 : i32 to index
        %swap3A_188 = tpu.vector_load %arg6[%swap3A_187] {strides = array<i32>} : memref<32768xi32, #tpu.memory_space<vmem>>, vector<16xi32>,
        tpu.vector_store %arg6[%swap3A_187], %broadcast_in_dim3A_1 {strides = array<i32>} : memref<32768xi32, #tpu.memory_space<vmem>>, vector<16xi32>,
        %mul3A_189 = arith.constant 16 : i32
        %mul3A_190 = arith.muli %scan3A_49, %mul3A_189 : i32
        %add3A_191 = arith.constant 20480 : i32
        %add3A_192 = arith.addi %add3A_191, %mul3A_190 : i32
        %get3A_193 = arith.index_cast %add3A_192 : i32 to index
        %get3A_194 = tpu.vector_load %arg5[%get3A_193] {strides = array<i32>} : memref<32768xi32, #tpu.memory_space<vmem>>, vector<16xi32>,
        %add3A_195 = arith.addi %add3A_184, %get3A_194 : vector<16xi32>
        %get3A_196 = arith.index_cast %add3A_192 : i32 to index
        %get3A_197 = tpu.vector_load %arg6[%get3A_196] {strides = array<i32>} : memref<32768xi32, #tpu.memory_space<vmem>>, vector<16xi32>,
        %add3A_198 = arith.addi %add3A_195, %get3A_197 : vector<16xi32>
        %swap3A_199 = arith.index_cast %add3A_192 : i32 to index
        %swap3A_200 = tpu.vector_load %arg5[%swap3A_199] {strides = array<i32>} : memref<32768xi32, #tpu.memory_space<vmem>>, vector<16xi32>,
        tpu.vector_store %arg5[%swap3A_199], %broadcast_in_dim3A_1 {strides = array<i32>} : memref<32768xi32, #tpu.memory_space<vmem>>, vector<16xi32>,
        %swap3A_201 = arith.index_cast %add3A_192 : i32 to index
        %swap3A_202 = tpu.vector_load %arg6[%swap3A_201] {strides = array<i32>} : memref<32768xi32, #tpu.memory_space<vmem>>, vector<16xi32>,
        tpu.vector_store %arg6[%swap3A_201], %broadcast_in_dim3A_1 {strides = array<i32>} : memref<32768xi32, #tpu.memory_space<vmem>>, vector<16xi32>,
        %mul3A_203 = arith.constant 16 : i32
        %mul3A_204 = arith.muli %scan3A_49, %mul3A_203 : i32
        %add3A_205 = arith.constant 22528 : i32
        %add3A_206 = arith.addi %add3A_205, %mul3A_204 : i32
        %get3A_207 = arith.index_cast %add3A_206 : i32 to index
        %get3A_208 = tpu.vector_load %arg5[%get3A_207] {strides = array<i32>} : memref<32768xi32, #tpu.memory_space<vmem>>, vector<16xi32>,
        %add3A_209 = arith.addi %add3A_198, %get3A_208 : vector<16xi32>
        %get3A_210 = arith.index_cast %add3A_206 : i32 to index
        %get3A_211 = tpu.vector_load %arg6[%get3A_210] {strides = array<i32>} : memref<32768xi32, #tpu.memory_space<vmem>>, vector<16xi32>,
        %add3A_212 = arith.addi %add3A_209, %get3A_211 : vector<16xi32>
        %swap3A_213 = arith.index_cast %add3A_206 : i32 to index
        %swap3A_214 = tpu.vector_load %arg5[%swap3A_213] {strides = array<i32>} : memref<32768xi32, #tpu.memory_space<vmem>>, vector<16xi32>,
        tpu.vector_store %arg5[%swap3A_213], %broadcast_in_dim3A_1 {strides = array<i32>} : memref<32768xi32, #tpu.memory_space<vmem>>, vector<16xi32>,
        %swap3A_215 = arith.index_cast %add3A_206 : i32 to index
        %swap3A_216 = tpu.vector_load %arg6[%swap3A_215] {strides = array<i32>} : memref<32768xi32, #tpu.memory_space<vmem>>, vector<16xi32>,
        tpu.vector_store %arg6[%swap3A_215], %broadcast_in_dim3A_1 {strides = array<i32>} : memref<32768xi32, #tpu.memory_space<vmem>>, vector<16xi32>,
        %mul3A_217 = arith.constant 16 : i32
        %mul3A_218 = arith.muli %scan3A_49, %mul3A_217 : i32
        %add3A_219 = arith.constant 24576 : i32
        %add3A_220 = arith.addi %add3A_219, %mul3A_218 : i32
        %get3A_221 = arith.index_cast %add3A_220 : i32 to index
        %get3A_222 = tpu.vector_load %arg5[%get3A_221] {strides = array<i32>} : memref<32768xi32, #tpu.memory_space<vmem>>, vector<16xi32>,
        %add3A_223 = arith.addi %add3A_212, %get3A_222 : vector<16xi32>
        %get3A_224 = arith.index_cast %add3A_220 : i32 to index
        %get3A_225 = tpu.vector_load %arg6[%get3A_224] {strides = array<i32>} : memref<32768xi32, #tpu.memory_space<vmem>>, vector<16xi32>,
        %add3A_226 = arith.addi %add3A_223, %get3A_225 : vector<16xi32>
        %swap3A_227 = arith.index_cast %add3A_220 : i32 to index
        %swap3A_228 = tpu.vector_load %arg5[%swap3A_227] {strides = array<i32>} : memref<32768xi32, #tpu.memory_space<vmem>>, vector<16xi32>,
        tpu.vector_store %arg5[%swap3A_227], %broadcast_in_dim3A_1 {strides = array<i32>} : memref<32768xi32, #tpu.memory_space<vmem>>, vector<16xi32>,
        %swap3A_229 = arith.index_cast %add3A_220 : i32 to index
        %swap3A_230 = tpu.vector_load %arg6[%swap3A_229] {strides = array<i32>} : memref<32768xi32, #tpu.memory_space<vmem>>, vector<16xi32>,
        tpu.vector_store %arg6[%swap3A_229], %broadcast_in_dim3A_1 {strides = array<i32>} : memref<32768xi32, #tpu.memory_space<vmem>>, vector<16xi32>,
        %mul3A_231 = arith.constant 16 : i32
        %mul3A_232 = arith.muli %scan3A_49, %mul3A_231 : i32
        %add3A_233 = arith.constant 26624 : i32
        %add3A_234 = arith.addi %add3A_233, %mul3A_232 : i32
        %get3A_235 = arith.index_cast %add3A_234 : i32 to index
        %get3A_236 = tpu.vector_load %arg5[%get3A_235] {strides = array<i32>} : memref<32768xi32, #tpu.memory_space<vmem>>, vector<16xi32>,
        %add3A_237 = arith.addi %add3A_226, %get3A_236 : vector<16xi32>
        %get3A_238 = arith.index_cast %add3A_234 : i32 to index
        %get3A_239 = tpu.vector_load %arg6[%get3A_238] {strides = array<i32>} : memref<32768xi32, #tpu.memory_space<vmem>>, vector<16xi32>,
        %add3A_240 = arith.addi %add3A_237, %get3A_239 : vector<16xi32>
        %swap3A_241 = arith.index_cast %add3A_234 : i32 to index
        %swap3A_242 = tpu.vector_load %arg5[%swap3A_241] {strides = array<i32>} : memref<32768xi32, #tpu.memory_space<vmem>>, vector<16xi32>,
        tpu.vector_store %arg5[%swap3A_241], %broadcast_in_dim3A_1 {strides = array<i32>} : memref<32768xi32, #tpu.memory_space<vmem>>, vector<16xi32>,
        %swap3A_243 = arith.index_cast %add3A_234 : i32 to index
        %swap3A_244 = tpu.vector_load %arg6[%swap3A_243] {strides = array<i32>} : memref<32768xi32, #tpu.memory_space<vmem>>, vector<16xi32>,
        tpu.vector_store %arg6[%swap3A_243], %broadcast_in_dim3A_1 {strides = array<i32>} : memref<32768xi32, #tpu.memory_space<vmem>>, vector<16xi32>,
        %mul3A_245 = arith.constant 16 : i32
        %mul3A_246 = arith.muli %scan3A_49, %mul3A_245 : i32
        %add3A_247 = arith.constant 28672 : i32
        %add3A_248 = arith.addi %add3A_247, %mul3A_246 : i32
        %get3A_249 = arith.index_cast %add3A_248 : i32 to index
        %get3A_250 = tpu.vector_load %arg5[%get3A_249] {strides = array<i32>} : memref<32768xi32, #tpu.memory_space<vmem>>, vector<16xi32>,
        %add3A_251 = arith.addi %add3A_240, %get3A_250 : vector<16xi32>
        %get3A_252 = arith.index_cast %add3A_248 : i32 to index
        %get3A_253 = tpu.vector_load %arg6[%get3A_252] {strides = array<i32>} : memref<32768xi32, #tpu.memory_space<vmem>>, vector<16xi32>,
        %add3A_254 = arith.addi %add3A_251, %get3A_253 : vector<16xi32>
        %swap3A_255 = arith.index_cast %add3A_248 : i32 to index
        %swap3A_256 = tpu.vector_load %arg5[%swap3A_255] {strides = array<i32>} : memref<32768xi32, #tpu.memory_space<vmem>>, vector<16xi32>,
        tpu.vector_store %arg5[%swap3A_255], %broadcast_in_dim3A_1 {strides = array<i32>} : memref<32768xi32, #tpu.memory_space<vmem>>, vector<16xi32>,
        %swap3A_257 = arith.index_cast %add3A_248 : i32 to index
        %swap3A_258 = tpu.vector_load %arg6[%swap3A_257] {strides = array<i32>} : memref<32768xi32, #tpu.memory_space<vmem>>, vector<16xi32>,
        tpu.vector_store %arg6[%swap3A_257], %broadcast_in_dim3A_1 {strides = array<i32>} : memref<32768xi32, #tpu.memory_space<vmem>>, vector<16xi32>,
        %mul3A_259 = arith.constant 16 : i32
        %mul3A_260 = arith.muli %scan3A_49, %mul3A_259 : i32
        %add3A_261 = arith.constant 30720 : i32
        %add3A_262 = arith.addi %add3A_261, %mul3A_260 : i32
        %get3A_263 = arith.index_cast %add3A_262 : i32 to index
        %get3A_264 = tpu.vector_load %arg5[%get3A_263] {strides = array<i32>} : memref<32768xi32, #tpu.memory_space<vmem>>, vector<16xi32>,
        %add3A_265 = arith.addi %add3A_254, %get3A_264 : vector<16xi32>
        %get3A_266 = arith.index_cast %add3A_262 : i32 to index
        %get3A_267 = tpu.vector_load %arg6[%get3A_266] {strides = array<i32>} : memref<32768xi32, #tpu.memory_space<vmem>>, vector<16xi32>,
        %add3A_268 = arith.addi %add3A_265, %get3A_267 : vector<16xi32>
        %swap3A_269 = arith.index_cast %add3A_262 : i32 to index
        %swap3A_270 = tpu.vector_load %arg5[%swap3A_269] {strides = array<i32>} : memref<32768xi32, #tpu.memory_space<vmem>>, vector<16xi32>,
        tpu.vector_store %arg5[%swap3A_269], %broadcast_in_dim3A_1 {strides = array<i32>} : memref<32768xi32, #tpu.memory_space<vmem>>, vector<16xi32>,
        %swap3A_271 = arith.index_cast %add3A_262 : i32 to index
        %swap3A_272 = tpu.vector_load %arg6[%swap3A_271] {strides = array<i32>} : memref<32768xi32, #tpu.memory_space<vmem>>, vector<16xi32>,
        tpu.vector_store %arg6[%swap3A_271], %broadcast_in_dim3A_1 {strides = array<i32>} : memref<32768xi32, #tpu.memory_space<vmem>>, vector<16xi32>,
        %mul3A_273 = arith.constant 16 : i32
        %mul3A_274 = arith.muli %scan3A_49, %mul3A_273 : i32
        %swap3A_275 = arith.index_cast %mul3A_274 : i32 to index
        %swap3A_276 = tpu.vector_load %arg7[%swap3A_275] {strides = array<i32>} : memref<2048xi32, #tpu.memory_space<vmem>>, vector<16xi32>,
        tpu.vector_store %arg7[%swap3A_275], %add3A_268 {strides = array<i32>} : memref<2048xi32, #tpu.memory_space<vmem>>, vector<16xi32>,
        %scan3A_277 = arith.constant 0 : i32
        scf.yield %scan3A_277 : i32
      }
      %scan3A_47 = arith.constant 128 : i32
      "tpu.region"() ({
        %run_scoped3A = tpu.sem_alloc : memref<!tpu.dma_semaphore, #tpu.memory_space<semaphore_mem>>
        %dma_start3A_49 = arith.constant 0 : i32
        %dma_start3A_50 = tpu.memref_slice %arg3[%scan3A_32, %add3A, %dma_start3A_49] : memref<19x32x2048xi32, #tpu.memory_space<hbm>> -> memref<1x1x2048xi32, #tpu.memory_space<hbm>>
        %dma_start3A_51 = tpu.memref_squeeze %dma_start3A_50 : memref<1x1x2048xi32, #tpu.memory_space<hbm>> -> memref<2048xi32, #tpu.memory_space<hbm>>
        %dma_start3A_52 = arith.constant 0 : i32
        %dma_start3A_53 = tpu.memref_slice %arg3[%scan3A_32, %add3A, %dma_start3A_52] : memref<19x32x2048xi32, #tpu.memory_space<hbm>> -> memref<1x1x2048xi32, #tpu.memory_space<hbm>>
        %dma_start3A_54 = tpu.memref_squeeze %dma_start3A_53 : memref<1x1x2048xi32, #tpu.memory_space<hbm>> -> memref<2048xi32, #tpu.memory_space<hbm>>
        tpu.enqueue_dma source(%arg7 : memref<2048xi32, #tpu.memory_space<vmem>>) target(%dma_start3A_54 : memref<2048xi32, #tpu.memory_space<hbm>>) target_semaphore(%run_scoped3A : memref<!tpu.dma_semaphore, #tpu.memory_space<semaphore_mem>>)
        %dma_wait3A = arith.constant 0 : i32
        %dma_wait3A_55 = tpu.memref_slice %arg3[%scan3A_32, %add3A, %dma_wait3A] : memref<19x32x2048xi32, #tpu.memory_space<hbm>> -> memref<1x1x2048xi32, #tpu.memory_space<hbm>>
        %dma_wait3A_56 = tpu.memref_squeeze %dma_wait3A_55 : memref<1x1x2048xi32, #tpu.memory_space<hbm>> -> memref<2048xi32, #tpu.memory_space<hbm>>
        %dma_wait3A_57 = arith.constant 0 : i32
        %dma_wait3A_58 = tpu.memref_slice %arg3[%scan3A_32, %add3A, %dma_wait3A_57] : memref<19x32x2048xi32, #tpu.memory_space<hbm>> -> memref<1x1x2048xi32, #tpu.memory_space<hbm>>
        %dma_wait3A_59 = tpu.memref_squeeze %dma_wait3A_58 : memref<1x1x2048xi32, #tpu.memory_space<hbm>> -> memref<2048xi32, #tpu.memory_space<hbm>>
        tpu.wait_dma2 semaphore(%run_scoped3A : memref<!tpu.dma_semaphore, #tpu.memory_space<semaphore_mem>>) src(%arg7 : memref<2048xi32, #tpu.memory_space<vmem>>) dst(%dma_wait3A_59 : memref<2048xi32, #tpu.memory_space<hbm>>)
        tpu.yield
      }) : () -> ()
      %scan3A_48 = arith.constant 0 : i32
      scf.yield %scan3A_48 : i32
    }
    %scan3A_31 = arith.constant 19 : i32
    return
  }
}

module attributes {stable_mosaic.version = 14 : i64} {
  func.func @_final_body(%arg0: memref<19x32x2048xi32, #tpu.memory_space<vmem>>, %arg1: memref<2048x2048xf32, #tpu.memory_space<vmem>>, %arg2: memref<1x1xf32, #tpu.memory_space<smem>>) attributes {dimension_semantics = [], scalar_prefetch = 0 : i64, scratch_operands = 0 : i64, tpu.core_type = #tpu.core_type<tc>} {
    %get3A = arith.constant 0 : index
    %get3A_0 = arith.constant 0 : index
    %get3A_1 = arith.constant 0 : index
    %get3A_2 = vector.load %arg0[%get3A, %get3A_0, %get3A_1] : memref<19x32x2048xi32, #tpu.memory_space<vmem>>, vector<19x32x2048xi32>
    %bitcast_convert_type3A = tpu.bitcast %get3A_2 : vector<19x32x2048xi32> -> vector<19x32x2048xi32>
    %and3A = arith.constant 65535 : i32
    %and3A_3 = vector.broadcast %and3A : i32 to vector<19x32x2048xi32>
    %and3A_4 = arith.andi %bitcast_convert_type3A, %and3A_3 : vector<19x32x2048xi32>
    %convert_element_type3A = arith.uitofp %and3A_4 : vector<19x32x2048xi32> to vector<19x32x2048xf32>
    %shift_right_logical3A = arith.constant 16 : i32
    %shift_right_logical3A_5 = vector.broadcast %shift_right_logical3A : i32 to vector<19x32x2048xi32>
    %shift_right_logical3A_6 = arith.shrui %bitcast_convert_type3A, %shift_right_logical3A_5 : vector<19x32x2048xi32>
    %convert_element_type3A_7 = arith.uitofp %shift_right_logical3A_6 : vector<19x32x2048xi32> to vector<19x32x2048xf32>
    %reduce_sum3A = arith.constant dense<0.000000e+00> : vector<19x2048xf32>
    %reduce_sum3A_8 = vector.multi_reduction <add>, %convert_element_type3A, %reduce_sum3A [1] : vector<19x32x2048xf32> to vector<19x2048xf32>
    %reduce_sum3A_9 = arith.constant dense<0.000000e+00> : vector<19x2048xf32>
    %reduce_sum3A_10 = vector.multi_reduction <add>, %convert_element_type3A_7, %reduce_sum3A_9 [1] : vector<19x32x2048xf32> to vector<19x2048xf32>
    %get3A_11 = arith.constant 0 : index
    %get3A_12 = arith.constant 0 : index
    %get3A_13 = vector.load %arg1[%get3A_11, %get3A_12] : memref<2048x2048xf32, #tpu.memory_space<vmem>>, vector<2048x2048xf32>
    %dot_general3A = arith.constant dense<0.000000e+00> : vector<19x2048xf32>
    %dot_general3A_14 = tpu.matmul %reduce_sum3A_8, %get3A_13, %dot_general3A {dimension_numbers = #tpu.dot_dimension_numbers<[1], [0], [0], [1], [0, 0, 1, 1], [], []>, transpose_lhs_hint = false} : vector<19x2048xf32>, vector<2048x2048xf32>, vector<19x2048xf32> -> vector<19x2048xf32>
    %dot_general3A_15 = arith.constant dense<0.000000e+00> : vector<19x2048xf32>
    %dot_general3A_16 = tpu.matmul %reduce_sum3A_10, %get3A_13, %dot_general3A_15 {dimension_numbers = #tpu.dot_dimension_numbers<[1], [0], [0], [1], [0, 0, 1, 1], [], []>, transpose_lhs_hint = false} : vector<19x2048xf32>, vector<2048x2048xf32>, vector<19x2048xf32> -> vector<19x2048xf32>
    %reduce_sum3A_17 = arith.constant dense<0.000000e+00> : vector<19xf32>
    %reduce_sum3A_18 = vector.multi_reduction <add>, %reduce_sum3A_10, %reduce_sum3A_17 [1] : vector<19x2048xf32> to vector<19xf32>
    %broadcast_in_dim3A = vector.shape_cast %reduce_sum3A_18 : vector<19xf32> to vector<19x1xf32>
    %add3A = vector.broadcast %broadcast_in_dim3A : vector<19x1xf32> to vector<19x2048xf32>
    %add3A_19 = arith.addf %add3A, %dot_general3A_14 : vector<19x2048xf32>
    %sub3A = arith.subf %add3A_19, %dot_general3A_16 : vector<19x2048xf32>
    %max3A = arith.constant 1.000000e+00 : f32
    %max3A_20 = vector.broadcast %max3A : f32 to vector<19x2048xf32>
    %max3A_21 = arith.maximumf %sub3A, %max3A_20 : vector<19x2048xf32>
    %gt3A = arith.constant 0.000000e+00 : f32
    %gt3A_22 = vector.broadcast %gt3A : f32 to vector<19x2048xf32>
    %gt3A_23 = arith.cmpf ogt, %dot_general3A_14, %gt3A_22 : vector<19x2048xf32>
    %sub3A_24 = vector.broadcast %broadcast_in_dim3A : vector<19x1xf32> to vector<19x2048xf32>
    %sub3A_25 = arith.subf %sub3A_24, %dot_general3A_16 : vector<19x2048xf32>
    %div3A = arith.divf %sub3A_25, %max3A_21 : vector<19x2048xf32>
    %sub3A_26 = arith.constant 1.000000e+00 : f32
    %sub3A_27 = vector.broadcast %sub3A_26 : f32 to vector<19x2048xf32>
    %sub3A_28 = arith.subf %sub3A_27, %div3A : vector<19x2048xf32>
    %jit3A = arith.constant 0.000000e+00 : f32
    %broadcast_in_dim3A_29 = vector.broadcast %jit3A : f32 to vector<19x2048xf32>
    %select_n3A = arith.select %gt3A_23, %sub3A_28, %broadcast_in_dim3A_29 : vector<19x2048xi1>, vector<19x2048xf32>
    %reduce_sum3A_30 = vector.shape_cast %select_n3A : vector<19x2048xf32> to vector<1x19x2048xf32>
    %reduce_sum3A_31 = arith.constant dense<0.000000e+00> : vector<1xf32>
    %reduce_sum3A_32 = vector.multi_reduction <add>, %reduce_sum3A_30, %reduce_sum3A_31 [1, 2] : vector<1x19x2048xf32> to vector<1xf32>
    %reduce_sum3A_33 = vector.shape_cast %reduce_sum3A_32 : vector<1xf32> to vector<1x1x1xf32>
    %reduce_sum3A_34 = vector.extract %reduce_sum3A_33[0, 0, 0] : f32 from vector<1x1x1xf32>
    %div3A_35 = arith.constant 3.891200e+04 : f32
    %div3A_36 = arith.divf %reduce_sum3A_34, %div3A_35 : f32
    %swap3A = arith.constant 0 : index
    %swap3A_37 = arith.constant 0 : index
    %swap3A_38 = memref.load %arg2[%swap3A, %swap3A_37] : memref<1x1xf32, #tpu.memory_space<smem>>
    memref.store %div3A_36, %arg2[%swap3A, %swap3A_37] : memref<1x1xf32, #tpu.memory_space<smem>>
    return
  }
}

module attributes {stable_mosaic.version = 14 : i64} {
  func.func @_error_body(%arg0: i32, %arg1: i32, %arg2: memref<1x19x2048xf32, #tpu.memory_space<vmem>>, %arg3: memref<1x1x2048xi32, #tpu.memory_space<vmem>>, %arg4: memref<19x2048xf32, #tpu.memory_space<vmem>>) attributes {dimension_semantics = [#tpu.dimension_semantics<arbitrary>, #tpu.dimension_semantics<arbitrary>], iteration_bounds = array<i64: 4, 128>, scalar_prefetch = 0 : i64, scratch_operands = 0 : i64, tpu.core_type = #tpu.core_type<tc>, window_params = [{transform_indices = @transform_0, window_bounds = array<i64: 1, 19, 2048>}, {transform_indices = @transform_1, window_bounds = array<i64: 1, 1, 2048>}, {transform_indices = @transform_2, window_bounds = array<i64: 19, 2048>}]} {
    %get3A = arith.constant 0 : index
    %get3A_0 = arith.constant 0 : index
    %get3A_1 = arith.constant 0 : index
    %get3A_2 = vector.load %arg2[%get3A, %get3A_0, %get3A_1] : memref<1x19x2048xf32, #tpu.memory_space<vmem>>, vector<1x19x2048xf32>
    %get3A_3 = vector.shape_cast %get3A_2 : vector<1x19x2048xf32> to vector<19x2048xf32>
    %reduce_max3A = arith.constant dense<0xFF800000> : vector<2048xf32>
    %reduce_max3A_4 = vector.multi_reduction <maximumf>, %get3A_3, %reduce_max3A [0] : vector<19x2048xf32> to vector<2048xf32>
    %broadcast_in_dim3A = vector.shape_cast %reduce_max3A_4 : vector<2048xf32> to vector<1x2048xf32>
    %sub3A = vector.broadcast %broadcast_in_dim3A : vector<1x2048xf32> to vector<19x2048xf32>
    %sub3A_5 = arith.subf %get3A_3, %sub3A : vector<19x2048xf32>
    %exp3A = math.exp %sub3A_5 : vector<19x2048xf32>
    %reduce_sum3A = arith.constant dense<0.000000e+00> : vector<2048xf32>
    %reduce_sum3A_6 = vector.multi_reduction <add>, %exp3A, %reduce_sum3A [0] : vector<19x2048xf32> to vector<2048xf32>
    %broadcast_in_dim3A_7 = vector.shape_cast %reduce_sum3A_6 : vector<2048xf32> to vector<1x2048xf32>
    %div3A = vector.broadcast %broadcast_in_dim3A_7 : vector<1x2048xf32> to vector<19x2048xf32>
    %div3A_8 = arith.divf %exp3A, %div3A : vector<19x2048xf32>
    %get3A_9 = arith.constant 0 : index
    %get3A_10 = arith.constant 0 : index
    %get3A_11 = arith.constant 0 : index
    %get3A_12 = vector.load %arg3[%get3A_9, %get3A_10, %get3A_11] : memref<1x1x2048xi32, #tpu.memory_space<vmem>>, vector<1x1x2048xi32>
    %get3A_13 = vector.shape_cast %get3A_12 : vector<1x1x2048xi32> to vector<1x2048xi32>
    %iota3A = tpu.iota {dimensions = array<i32: 0>} : vector<19x1xi32>
    %eq3A = vector.broadcast %get3A_13 : vector<1x2048xi32> to vector<19x2048xi32>
    %eq3A_14 = vector.broadcast %iota3A : vector<19x1xi32> to vector<19x2048xi32>
    %eq3A_15 = arith.cmpi eq, %eq3A, %eq3A_14 : vector<19x2048xi32>
    %sub3A_16 = arith.constant 1.000000e+00 : f32
    %sub3A_17 = vector.broadcast %sub3A_16 : f32 to vector<19x2048xf32>
    %sub3A_18 = arith.subf %sub3A_17, %div3A_8 : vector<19x2048xf32>
    %neg3A = arith.constant 0.000000e+00 : f32
    %neg3A_19 = vector.broadcast %neg3A : f32 to vector<19x2048xf32>
    %neg3A_20 = arith.subf %neg3A_19, %sub3A_18 : vector<19x2048xf32>
    %select_n3A = arith.select %eq3A_15, %neg3A_20, %div3A_8 : vector<19x2048xi1>, vector<19x2048xf32>
    %swap3A = arith.constant 0 : index
    %swap3A_21 = arith.constant 0 : index
    %swap3A_22 = vector.load %arg4[%swap3A, %swap3A_21] : memref<19x2048xf32, #tpu.memory_space<vmem>>, vector<19x2048xf32>
    tpu.vector_store %arg4[%swap3A, %swap3A_21], %select_n3A {strides = array<i32>} : memref<19x2048xf32, #tpu.memory_space<vmem>>, vector<19x2048xf32>,
    return
  }
  func.func @transform_0(%arg0: i32, %arg1: i32) -> (i32, i32, i32) {
    %c0_i32 = arith.constant 0 : i32
    %c0_i32_0 = arith.constant 0 : i32
    return %arg0, %c0_i32, %arg1 : i32, i32, i32
  }
  func.func @transform_1(%arg0: i32, %arg1: i32) -> (i32, i32, i32) {
    %c0_i32 = arith.constant 0 : i32
    %c0_i32_0 = arith.constant 0 : i32
    return %arg0, %c0_i32, %arg1 : i32, i32, i32
  }
  func.func @transform_2(%arg0: i32, %arg1: i32) -> (i32, i32) {
    %mul3A = arith.constant 128 : i32
    %mul3A_0 = arith.muli %arg0, %mul3A : i32
    %add3A = arith.addi %mul3A_0, %arg1 : i32
    %c0_i32 = arith.constant 0 : i32
    %c0_i32_1 = arith.constant 0 : i32
    return %c0_i32, %add3A : i32, i32
  }
}

</mosaic_0001>

<sc_bundles>
// kernel: kernel.5.cloned.1.call-start
scs
__scs_entry_jumppad:
0x0: {  	(pc) =	sbr.rel $0x88, $3  }
0x1: {  	(tag) =	ssettag $0x0;
	lr =	simm.s32 $0x1  }
0x2: {  	[smem:$0x3F9F] =	sst lr;
	_ =	strace $0xD0000000  }
0x3: {  	_ = 	snop  }
0x4: {  	_ = 	snop  }
0x5: {  	_ = 	snop  }
0x6: {  	_ = 	snop  }
0x7: {  	_ = 	snop  }
__scs_overlays_trampoline_lowered:
0x8: {  	[smem:$0x3FAE] =	sst s0  }
0x9: {  	[smem:$0x3FAF] =	sst s1  }
0xa: {  	[smem:$0x3FB0] =	sst s2  }
0xb: {  	[smem:$0x3FB1] =	sst s3  }
0xc: {  	[smem:$0x3FB2] =	sst s4  }
0xd: {  	[smem:$0x3FB3] =	sst s5  }
0xe: {  	[smem:$0x3FB4] =	sst s6  }
0xf: {  	[smem:$0x3FB5] =	sst s7  }
0x10: {  	[smem:$0x3FB6] =	sst s8  }
0x11: {  	[smem:$0x3FB7] =	sst s9;
	s0 =	simm.s32 @!p0 $0x0  }
0x12: {  	s1 =	sld [smem:$0x3F9D];
	s0 =	simm.s32 @p0 $0x1  }
0x13: {  	[smem:$0x3FB8] =	sst s0;
	s0 =	simm.s32 @!p1 $0x0  }
0x14: {  	s2 =	sld [smem:$0x3F9C];
	s0 =	simm.s32 @p1 $0x1  }
0x15: {  	[smem:$0x3FB9] =	sst s0;
	s0 =	simm.s32 @!p2 $0x0  }
0x16: {  	s3 =	sld [smem:$0x3FDB];
	s0 =	simm.s32 @p2 $0x1  }
0x17: {  	s4 =	simm.s32 $0x1BF5;
	[smem:$0x3FBB] =	sst s0  }
0x18: {  	s0 =	sld [smem:$0x3F9E];
	_ =	swait.ge [sflag:s4], $0x0  }
0x19: {  	s7 =	sld [smem:$0x3F9F]  }
0x1a: {  	s8 =	sadd.s32 $0xFFFFE003, lr  }
0x1b: {  	s9 =	sadd.s32 $0xFFFFFEF7, lr;
	s5 =	simm.s32 $0xFFFFFFFF;
	p2 =	slt.u32 s8, $0xFFFFF086  }
0x1c: {  	p1 =	slt.u32 s9, $0xF7A;
	s5 =	simm.s32 @!p2 $0x0  }
0x1d: {  	s5 =	simm.s32 @p1 $0x1;
	p0 =	seq.s32 s7, s2  }
0x1e: {  	s7 =	smul.u32 @!p0 $0xF7A, s2;
	p2 =	seq.s32 @!p0 s5, $0x0  }
0x1f: {  	s9 =	smul.u32 $0xF7A, s1;
	s8 =	simm.s32 @!p0 $0x1BF5;
	p2 =	por !p2, p0  }
0x20: {  	[sflag:s8] =	ssyncset.s32 @!p0 $0xFFFFF086;
	s6 =	sadd.s32 @!p0 s3, s7;
	s7 =	simm.s32 @!p0 $0x108  }
0x21: {  	s3 =	sadd.s32 s3, s9;
	s6 =	sadd.s32 @!p0 $0x88, s6;
	s7 =	simm.s32 @p2 $0x1082  }
0x22: {  	[simem:s7], [sflag:s8] =	dma.local @!p0 [hbm:s6], $0xF7A  }
0x23: {  	s9 =	sor.u32 $0xD0000000, s2;
	s6 =	simm.s32 $0x108;
	_ =	swait.ge @!p0 [sflag:s8], $0x0  }
0x24: {  	s3 =	sadd.s32 $0x88, s3;
	s6 =	simm.s32 @!p1 $0x1082;
	[sflag:s4] =	ssyncset.s32 $0xFFFFF086  }
0x25: {  	[simem:s6], [sflag:s4] =	dma.local [hbm:s3], $0xF7A  }
0x26: {  	[smem:$0x3F9F] =	sst s1;
	(tag) =	ssettag s2;
	_ =	strace s9  }
0x27: {  	s1 =	sld [smem:$0x3FAF]  }
0x28: {  	s2 =	sld [smem:$0x3FB0]  }
0x29: {  	s4 =	sld [smem:$0x3FB2]  }
0x2a: {  	p0 =	seq.s32 s5, $0x0;
	s5 =	sld [smem:$0x3FB3]  }
0x2b: {  	s6 =	sld [smem:$0x3FB4]  }
0x2c: {  	s7 =	sld [smem:$0x3FB5]  }
0x2d: {  	s3 =	simm.s32 $0x108;
	s8 =	sld [smem:$0x3FB6]  }
0x2e: {  	s3 =	simm.s32 @!p0 $0x1082;
	s9 =	sld [smem:$0x3FB7]  }
0x2f: {  	lr =	sadd.s32 s0, s3;
	s0 =	sld [smem:$0x3FAE]  }
0x30: {  	s3 =	sld [smem:$0x3FB1]  }
0x31: {  	[smem:$0x3FBA] =	sst s10  }
0x32: {  	s10 =	sld [smem:$0x3FB8];
	_ =	sdelay $0x3  }
0x33: {  	p0 =	seq.s32 s10, $0x1;
	s10 =	sld [smem:$0x3FBA];
	_ =	sdelay $0x3  }
0x34: {  	[smem:$0x3FBA] =	sst s10  }
0x35: {  	s10 =	sld [smem:$0x3FB9];
	_ =	sdelay $0x3  }
0x36: {  	p1 =	seq.s32 s10, $0x1;
	s10 =	sld [smem:$0x3FBA];
	_ =	sdelay $0x3  }
0x37: {  	[smem:$0x3FBA] =	sst s10  }
0x38: {  	s10 =	sld [smem:$0x3FBB]  }
0x39: {  	_ = 	snop;
	(pc) =	sbr.ind lr, $3  }
0x3a: {  	_ = 	snop  }
0x3b: {  	_ = 	snop  }
0x3c: {  	p2 =	seq.s32 s10, $0x1;
	s10 =	sld [smem:$0x3FBA]  }
0x3d: {  	_ =	shalt  }
0x3e: {  	_ =	shalt  }
0x3f: {  	_ =	shalt  }
0x40: {  	_ =	shalt  }
0x41: {  	_ =	shalt  }
0x42: {  	_ =	shalt  }
0x43: {  	_ =	shalt  }
0x44: {  	_ =	shalt  }
0x45: {  	_ =	shalt  }
0x46: {  	_ =	shalt  }
0x47: {  	_ =	shalt  }
0x48: {  	_ =	shalt  }
0x49: {  	_ =	shalt  }
0x4a: {  	_ =	shalt  }
0x4b: {  	_ =	shalt  }
0x4c: {  	_ =	shalt  }
0x4d: {  	_ =	shalt  }
0x4e: {  	_ =	shalt  }
0x4f: {  	_ =	shalt  }
0x50: {  	_ =	shalt  }
0x51: {  	_ =	shalt  }
0x52: {  	_ =	shalt  }
0x53: {  	_ =	shalt  }
0x54: {  	_ =	shalt  }
0x55: {  	_ =	shalt  }
0x56: {  	_ =	shalt  }
0x57: {  	_ =	shalt  }
0x58: {  	_ =	shalt  }
0x59: {  	_ =	shalt  }
0x5a: {  	_ =	shalt  }
0x5b: {  	_ =	shalt  }
0x5c: {  	_ =	shalt  }
0x5d: {  	_ =	shalt  }
0x5e: {  	_ =	shalt  }
0x5f: {  	_ =	shalt  }
0x60: {  	_ =	shalt  }
0x61: {  	_ =	shalt  }
0x62: {  	_ =	shalt  }
0x63: {  	_ =	shalt  }
0x64: {  	_ =	shalt  }
0x65: {  	_ =	shalt  }
0x66: {  	_ =	shalt  }
0x67: {  	_ =	shalt  }
0x68: {  	_ =	shalt  }
0x69: {  	_ =	shalt  }
0x6a: {  	_ =	shalt  }
0x6b: {  	_ =	shalt  }
0x6c: {  	_ =	shalt  }
0x6d: {  	_ =	shalt  }
0x6e: {  	_ =	shalt  }
0x6f: {  	_ =	shalt  }
0x70: {  	_ =	shalt  }
0x71: {  	_ =	shalt  }
0x72: {  	_ =	shalt  }
0x73: {  	_ =	shalt  }
0x74: {  	_ =	shalt  }
0x75: {  	_ =	shalt  }
0x76: {  	_ =	shalt  }
0x77: {  	_ =	shalt  }
0x78: {  	_ =	shalt  }
0x79: {  	_ =	shalt  }
0x7a: {  	_ =	shalt  }
0x7b: {  	_ =	shalt  }
0x7c: {  	_ =	shalt  }
0x7d: {  	_ =	shalt  }
0x7e: {  	_ =	shalt  }
0x7f: {  	_ =	shalt  }
0x80: {  	_ =	shalt  }
0x81: {  	_ =	shalt  }
0x82: {  	_ =	shalt  }
0x83: {  	_ =	shalt  }
0x84: {  	_ =	shalt  }
0x85: {  	_ =	shalt  }
0x86: {  	_ =	shalt  }
0x87: {  	_ =	shalt  }
.Lfunc_end0:
.L_simem_size_0:
called_computation_lowered:
.L_overlay_start_0:
0x88: {  	s2 =	sld [smem:$0x3FD9]  }
0x89: {  	s3 =	sld [smem:$0x3FFE];
	_ =	sdelay $0x1  }
0x8a: {  	s1 =	srdreg.scid  }
0x8b: {  	s0 =	sand.u32 $0x1, s1  }
0x8c: {  	s16 =	sshll.u32 s0, $0xA;
	s2 =	sadd.s32 s3, s2  }
0x8d: {  	s2 =	sadd.s32 s2, s16  }
0x8e: {  	[smem:$0x3FC6] =	sst s2  }
0x8f: {  	_ = 	snop  }
0x90: {  	(tm) =	ssettm $0x1  }
0x91: {  	s17 =	sld [smem:$0x3FFB];
	_ =	sdelay $0x3  }
0x92: {  	_ =	strace s17  }
0x93: {  	s2 =	sld [smem:$0x3FFC];
	_ =	sdelay $0x3  }
0x94: {  	_ =	strace s2  }
0x95: {  	s2 =	sld [smem:$0x3FFD];
	_ =	sdelay $0x3  }
0x96: {  	_ =	strace s2  }
0x97: {  	_ =	strace $0x8FFFFFFF  }
0x98: {  	s18 =	sld [smem:$0x3FDB];
	_ =	sdelay $0x1  }
0x99: {  	s19 =	simm.s32 $_scs_section_size  }
0x9a: {  	s4 =	simm.s32 $_size__tile_overlayer_lowered;
	s5 =	simm.s32 $_tile_overlayer_lowered  }
0x9b: {  	s22 =	simm.s32 $0x1BFF;
	s21 =	sshll.u32 s5, $0x1;
	s2 =	sadd.s32 s19, s18  }
0x9c: {  	s6 =	simm.s32 $0x0;
	s20 =	sshll.u32 s4, $0x1;
	s4 =	sadd.s32 s21, s2  }
0x9d: {  	[timem:s6], [sflag:s22] =	dma.local [hbm:s4], s20  }
0x9e: {  	_ =	swait.ge [sflag:s22], s20  }
0x9f: {  	s3 =	ssub.s32 $0x0, s20;
	[sflag:s22] =	ssyncset.done $0x0  }
0xa0: {  	[sflag:s22] =	ssyncadd.s32 s3;
	_ =	sdelay $0x1  }
0xa1: {  	s23 =	simm.s32 $0x1B8B  }
0xa2: {  	_ =	swait.ge [sflag:s23], $0x1  }
0xa3: {  	[sflag:s23] =	ssyncset.done $0x0  }
0xa4: {  	s25 =	simm.s32 $0x1B8E;
	s24 =	sld [smem:$0x3FFE];
	[sflag:s23] =	ssyncadd.s32 $0xFFFFFFFF  }
0xa5: {  	s26 =	simm.s32 $execute0_lowered;
	[smem:$0x3FD2] =	sst s25  }
0xa6: {  	s4 =	sshll.u32 s26, $0x1;
	_ =	strace $0x80000046;
	[dreg:$0x1] =	wrdreg $0xFFFFFFFF  }
0xa7: {  	s28 =	simm.s32 $_size_execute0_lowered;
	s2 =	sadd.s32 s2, s4;
	[dreg:$0x0] =	wrdreg $0x0  }
0xa8: {  	s4 =	sshll.u32 s28, $0x1;
	[dreg:$0x2] =	wrdreg s2  }
0xa9: {  	[dreg:$0x3] =	wrdreg s4  }
0xaa: {  	[dreg:$0x4] =	wrdreg $0xC0  }
0xab: {  	_ =	task [dreg:s6], $0x5FFFF  }
0xac: {  	[dreg:$0x1] =	wrdreg $0xFFFFFFFF  }
0xad: {  	[dreg:$0x0] =	wrdreg $0x60  }
0xae: {  	[dreg:$0x2] =	wrdreg s24  }
0xaf: {  	[dreg:$0x3] =	wrdreg $0x9  }
0xb0: {  	_ =	task.clear_ibuf [dreg:s6], $0x4FFFF;
	_ =	strace $0x90000046  }
0xb1: {  	s29 =	simm.s32 $0x9;
	_ =	strace $0x80000048  }
0xb2: {  	_ =	swait.ge [sflag:s29], $0x1  }
0xb3: {  	[sflag:s29] =	ssyncadd.s32 $0xFFFFFFFF  }
0xb4: {  	_ =	strace $0x90000048  }
0xb5: {  	_ =	sfence  }
0xb6: {  	s30 =	sld [smem:$0x0];
	_ =	sdelay $0x2  }
0xb7: {  	s31 =	sshll.u32 s1, $0xD;
	s1 =	sshrl.u32 s1, $0x2  }
0xb8: {  	s3 =	sand.u32 $0x4000, s31;
	s1 =	sadd.s32 s1, s30  }
0xb9: {  	s0 =	sor.u32 s3, s0;
	s1 =	sshll.u32 s1, $0x11  }
0xba: {  	s0 =	sor.u32 s1, s0  }
0xbb: {  	s0 =	sadd.s32 $0x8F2B, s0  }
0xbc: {  	[sflag:s0] =	ssyncadd.remote.s32 $0x1  }
0xbd: {  	_ =	sfence.sel $0xFFFF  }
0xbe: {  	[dreg:$0x0] =	wrdreg $0xFFFFFFFF;
	(pc) =	sbr.abs _section_cstart, $3  }
0xbf: {  	[dreg:$0x1] =	wrdreg $0xFFFFFFFF  }
0xc0: {  	_ =	task.clear_ibuf [dreg:s6], $0x2FFFF;
	_ =	strace $0x9FFFFFFF  }
0xc1: {  	(tm) =	ssettm $0x7FFFFFFF  }
tec
execute0_lowered:
.L_overlay_start_1:
0x0: {  	(tag) =	ssettag $0x1  }
0x1: {  	s4 =	rddreg [dreg:$0x0]  }
0x2: {  	s0 =	rddreg [dreg:$0x1];
	s2 =	simm.s32 $0x0  }
0x3: {  	s1 =	stileid.u32;
	s3 =	srdreg.scid;
	s9 =	simm.s32 $0x400  }
0x4: {  	s10 =	simm.s32 $0x1000;
	s11 =	simm.s32 $0x2000;
	s12 =	simm.s32 $0xA000  }
0x5: {  	s13 =	simm.s32 $0x12000;
	s14 =	simm.s32 $0x3;
	s15 =	simm.s32 $0x0  }
0x6: {  	[smem:$0x7FF] =	sst s2;
	s5 =	sand.u32 $0x1, s3;
	s3 =	sadd.s32 $0x301600, s4  }
0x7: {  	s6 =	sshll.u32 s1, $0x1;
	s7 =	sshll.u32 s1, $0x9;
	_ =	strace $0x80000047  }
0x8: {  	s8 =	sor.u32 s5, s6;
	s28 =	sand.u32 $0x1800, s7;
	s5 =	ssub.s32 $0x2, s5  }
0x9: {  	s29 =	sshll.u32 s8, $0x4;
	s4 =	sadd.s32 s28, s4;
	s30 =	sshrl.u32 s5, $0x1  }
0xa: {  	s31 =	sshll.u32 s8, $0xF;
	s7 =	sand.u32 $0x70, s29;
	s6 =	ssub.s32 s5, s30  }
0xb: {  	v1 =	vlaneseq.u32;
	s7 =	sadd.s32 s7, s4;
	s4 =	sadd.s32 s3, s31;
	s6 =	smax.u32 s6, $0x1  }
0xc: {  	v0 =	vimm.s32 $0x0;
	v1 =	vmul.u32 $0x800, v1;
	s5 =	sadd.s32 $0x1600, s7;
	s7 =	sshll.u32 s8, $0x12;
	s8 =	simm.s32 $0x80  }
.LBB2_1:
0xd: {  	s16 =	simm.s32 $0x40;
	s17 =	simm.s32 $0x0  }
.LBB2_2:
0xe: {  	p0 =	sne.s32 s16, $0x1FFC0;
	[tilespmem:s17+$0x2000] =	vst v0;
	s18 =	smov.u32 s16;
	s16 =	sadd.s32 $0x40, s16  }
.Ltmp0:
0xf: {  	[tilespmem:s17+$0xA000] =	vst v0;
	(pc) =	sbr.rel @p0 .LBB2_2-.Ltmp0, $2  }
0x10: {  	_ =	sdelay $0x2  }
0x11: {  	s17 =	sshra.s32 s18, $0x2  }
0x12: {  	[tilespmem:s17+$0x2000] =	vst v0  }
0x13: {  	[tilespmem:s17+$0xA000] =	vst v0;
	s16 =	simm.s32 $0x0  }
0x14: {  	[tilespmem:s16], [sflag:$0x1] =	stream.strided.gather [hbm4b:s4+s8], $0x1000, s9, s8, $0x38;
	[tilespmem:$0x12800] =	vst v63  }
.LBB2_4:
0x15: {  	s17 =	sshll.u32 s16, $0x3;
	s18 =	simm.s32 $0x0;
	s19 =	simm.s32 $0x0  }
.LBB2_5:
0x16: {  	s20 =	sadd.s32 s17, s19  }
0x17: {  	p0 =	sgt.u32 s20, $0x96  }
.Ltmp1:
0x18: {  	_ = 	snop;
	(pc) =	sbr.rel @p0 .LBB2_9-.Ltmp1, $1  }
0x19: {  	_ =	sdelay $0x3  }
0x1a: {  	s20 =	sadd.s32 $0x1, s20  }
0x1b: {  	s21 =	sshll.u32 s20, $0xF  }
0x1c: {  	s22 =	sshll.u32 s20, $0x11;
	s24 =	sand.u32 $0x1, s20;
	s20 =	sshll.u32 s20, $0x4  }
0x1d: {  	s23 =	sand.u32 $0xFFFC0000, s21;
	p0 =	seq.s32 s24, $0x0;
	s29 =	sadd.s32 s7, s21  }
.Ltmp2:
0x1e: {  	s30 =	sand.u32 $0x3800000, s22;
	s31 =	ssub.s32 s29, s23;
	(pc) =	sbr.rel @!p0 .LBB2_8-.Ltmp2, $4  }
0x1f: {  	s20 =	sand.u32 $0x380, s20;
	s21 =	sadd.s32 s30, s31  }
0x20: {  	s20 =	sor.u32 s20, s21  }
0x21: {  	s20 =	sshrl.u32 s20, $0x3  }
0x22: {  	s20 =	sadd.s32 s3, s20  }
0x23: {  	s21 =	sand.u32 $0x1, s19  }
0x24: {  	p0 =	seq.s32 s21, $0x1  }
.Ltmp3:
0x25: {  	_ = 	snop;
	(pc) =	sbr.rel @p0 .LBB2_9-.Ltmp3, $2  }
0x26: {  	_ =	sdelay $0x2  }
0x27: {  	[tilespmem:s2], [sflag:$0x1] =	stream.strided.gather [hbm4b:s20+s8], $0x1000, s9, s8, $0x38;
	[tilespmem:$0x12800] =	vst v63  }
.LBB2_8:
0x28: {  	[tilespmem:s10], [sflag:$0x2] =	stream.strided.gather [hbm4b:s20+s8], $0x1000, s9, s8, $0x38;
	[tilespmem:$0x12800] =	vst v63  }
.LBB2_9:
0x29: {  	s20 =	sand.u32 $0x1, s19  }
0x2a: {  	p0 =	seq.s32 s20, $0x1;
	s20 =	simm.s32 $0x2  }
0x2b: {  	s20 =	simm.s32 @!p0 $0x1  }
0x2c: {  	_ =	swait.ge [sflag:s20], $0x1000  }
0x2d: {  	[sflag:s20] =	ssyncset.done $0x0  }
0x2e: {  	[sflag:s20] =	ssyncadd.s32 $0xFFFFF000;
	s20 =	simm.s32 $0x0  }
.LBB2_10:
0x2f: {  	s21 =	sadd.s32 s20, s18  }
0x30: {  	s22 =	sand.u32 $0x40, s20;
	s21 =	sand.u32 $0x1F80, s21  }
0x31: {  	s21 =	sor.u32 s22, s21  }
0x32: {  	v2 =	vld [tilespmem:s21+$0x0];
	_ =	sdelay $0x4  }
0x33: {  	v3 =	vand.u32 $0x7FFFFFFF, v2  }
0x34: {  	v3 =	vmul.f32 $2.048000000e+03, v3;
	_ =	sdelay $0x1  }
0x35: {  	v3 =	vtrunc.f32 v3  }
0x36: {  	v3 =	vcvt.f32.s32 v3;
	_ =	sdelay $0x1  }
0x37: {  	vm0 =	vlt.s32 v3, $0x7FF  }
0x38: {  	v3 =	vnsel vm0, $0x7FF, v3  }
0x39: {  	v3 =	vadd.s32 v1, v3;
	_ =	sdelay $0x1  }
0x3a: {  	v2 =	vshrl.u32 v2, $0xF  }
0x3b: {  	v2 =	vand.u32 $0x10000, v2  }
0x3c: {  	v2 =	vor.u32 $0x1, v2  }
0x3d: {  	[tilespmem:v3+s11+$0x0] =	vst.idx.add.s32.msk $0xffff, v2  }
0x3e: {  	v2 =	vld [tilespmem:s21+$0x10];
	_ =	sdelay $0x4  }
0x3f: {  	v3 =	vand.u32 $0x7FFFFFFF, v2  }
0x40: {  	v3 =	vmul.f32 $2.048000000e+03, v3;
	_ =	sdelay $0x1  }
0x41: {  	v3 =	vtrunc.f32 v3  }
0x42: {  	v3 =	vcvt.f32.s32 v3;
	_ =	sdelay $0x1  }
0x43: {  	vm13 =	vlt.s32 v3, $0x7FF  }
0x44: {  	v3 =	vnsel vm13, $0x7FF, v3  }
0x45: {  	v3 =	vadd.s32 v1, v3;
	_ =	sdelay $0x1  }
0x46: {  	v2 =	vshrl.u32 v2, $0xF  }
0x47: {  	v2 =	vand.u32 $0x10000, v2  }
0x48: {  	v2 =	vor.u32 $0x1, v2  }
0x49: {  	[tilespmem:v3+s12+$0x0] =	vst.idx.add.s32.msk $0xffff, v2  }
0x4a: {  	v2 =	vld [tilespmem:s21+$0x20];
	_ =	sdelay $0x4  }
0x4b: {  	v3 =	vand.u32 $0x7FFFFFFF, v2  }
0x4c: {  	v3 =	vmul.f32 $2.048000000e+03, v3;
	_ =	sdelay $0x1  }
0x4d: {  	v3 =	vtrunc.f32 v3  }
0x4e: {  	v3 =	vcvt.f32.s32 v3;
	_ =	sdelay $0x1  }
0x4f: {  	vm14 =	vlt.s32 v3, $0x7FF  }
0x50: {  	v3 =	vnsel vm14, $0x7FF, v3  }
0x51: {  	v3 =	vadd.s32 v1, v3;
	_ =	sdelay $0x1  }
0x52: {  	v2 =	vshrl.u32 v2, $0xF  }
0x53: {  	v2 =	vand.u32 $0x10000, v2  }
0x54: {  	v2 =	vor.u32 $0x1, v2  }
0x55: {  	[tilespmem:v3+s11+$0x0] =	vst.idx.add.s32.msk $0xffff, v2  }
0x56: {  	v2 =	vld [tilespmem:s21+$0x30];
	_ =	sdelay $0x4  }
0x57: {  	v3 =	vand.u32 $0x7FFFFFFF, v2  }
0x58: {  	v3 =	vmul.f32 $2.048000000e+03, v3;
	_ =	sdelay $0x1  }
0x59: {  	v3 =	vtrunc.f32 v3  }
0x5a: {  	v3 =	vcvt.f32.s32 v3;
	_ =	sdelay $0x1  }
0x5b: {  	vm15 =	vlt.s32 v3, $0x7FF  }
0x5c: {  	v3 =	vnsel vm15, $0x7FF, v3  }
0x5d: {  	p0 =	sne.s32 s20, $0xFC0;
	v3 =	vadd.s32 v1, v3  }
.Ltmp4:
0x5e: {  	_ = 	snop;
	(pc) =	sbr.rel @p0 .LBB2_10-.Ltmp4, $4  }
0x5f: {  	v2 =	vshrl.u32 v2, $0xF  }
0x60: {  	v2 =	vand.u32 $0x10000, v2  }
0x61: {  	v2 =	vor.u32 $0x1, v2  }
0x62: {  	s20 =	sadd.s32 $0x40, s20;
	[tilespmem:v3+s12+$0x0] =	vst.idx.add.s32.msk $0xffff, v2  }
0x63: {  	s19 =	sadd.s32 $0x1, s19  }
0x64: {  	p0 =	sne.s32 s19, $0x8  }
.Ltmp5:
0x65: {  	_ = 	snop;
	(pc) =	sbr.rel @p0 .LBB2_5-.Ltmp5, $2  }
0x66: {  	_ =	sdelay $0x2  }
0x67: {  	s18 =	sadd.s32 $0x1000, s18  }
0x68: {  	s18 =	simm.s32 $0x0  }
0x69: {  	v2 =	vld [tilespmem:s18+$0x2000];
	[tilespmem:s18+$0x2000] =	vst v0  }
0x6a: {  	v3 =	vld [tilespmem:s18+$0xA000];
	[tilespmem:s18+$0xA000] =	vst v0  }
0x6b: {  	v4 =	vld [tilespmem:s18+$0x2800];
	[tilespmem:s18+$0x2800] =	vst v0  }
0x6c: {  	v5 =	vld [tilespmem:s18+$0xA800];
	[tilespmem:s18+$0xA800] =	vst v0  }
0x6d: {  	v6 =	vld [tilespmem:s18+$0x3000];
	[tilespmem:s18+$0x3000] =	vst v0  }
0x6e: {  	v7 =	vld [tilespmem:s18+$0xB000];
	[tilespmem:s18+$0xB000] =	vst v0  }
0x6f: {  	v8 =	vld [tilespmem:s18+$0x3800];
	[tilespmem:s18+$0x3800] =	vst v0  }
0x70: {  	v9 =	vld [tilespmem:s18+$0xB800];
	[tilespmem:s18+$0xB800] =	vst v0  }
0x71: {  	v10 =	vld [tilespmem:s18+$0x4000];
	[tilespmem:s18+$0x4000] =	vst v0  }
0x72: {  	v11 =	vld [tilespmem:s18+$0xC000];
	[tilespmem:s18+$0xC000] =	vst v0  }
0x73: {  	v12 =	vld [tilespmem:s18+$0x4800];
	[tilespmem:s18+$0x4800] =	vst v0  }
0x74: {  	v13 =	vld [tilespmem:s18+$0xC800];
	[tilespmem:s18+$0xC800] =	vst v0  }
0x75: {  	v14 =	vld [tilespmem:s18+$0x5000];
	[tilespmem:s18+$0x5000] =	vst v0  }
0x76: {  	v15 =	vld [tilespmem:s18+$0xD000];
	[tilespmem:s18+$0xD000] =	vst v0  }
0x77: {  	v16 =	vld [tilespmem:s18+$0x5800];
	[tilespmem:s18+$0x5800] =	vst v0  }
0x78: {  	v17 =	vld [tilespmem:s18+$0xD800];
	[tilespmem:s18+$0xD800] =	vst v0  }
0x79: {  	v18 =	vld [tilespmem:s18+$0x6000];
	[tilespmem:s18+$0x6000] =	vst v0  }
0x7a: {  	v19 =	vld [tilespmem:s18+$0xE000];
	[tilespmem:s18+$0xE000] =	vst v0  }
0x7b: {  	v20 =	vld [tilespmem:s18+$0x6800];
	[tilespmem:s18+$0x6800] =	vst v0  }
0x7c: {  	v21 =	vld [tilespmem:s18+$0xE800];
	[tilespmem:s18+$0xE800] =	vst v0  }
0x7d: {  	v22 =	vld [tilespmem:s18+$0x7000];
	[tilespmem:s18+$0x7000] =	vst v0  }
0x7e: {  	v23 =	vld [tilespmem:s18+$0xF000];
	[tilespmem:s18+$0xF000] =	vst v0  }
0x7f: {  	v24 =	vld [tilespmem:s18+$0x7800];
	[tilespmem:s18+$0x7800] =	vst v0  }
0x80: {  	v25 =	vld [tilespmem:s18+$0xF800];
	[tilespmem:s18+$0xF800] =	vst v0  }
0x81: {  	v26 =	vld [tilespmem:s18+$0x8000];
	[tilespmem:s18+$0x8000] =	vst v0  }
0x82: {  	v27 =	vld [tilespmem:s18+$0x10000];
	[tilespmem:s18+$0x10000] =	vst v0  }
0x83: {  	v28 =	vld [tilespmem:s18+$0x8800];
	[tilespmem:s18+$0x8800] =	vst v0  }
0x84: {  	v29 =	vld [tilespmem:s18+$0x10800];
	[tilespmem:s18+$0x10800] =	vst v0  }
0x85: {  	v30 =	vld [tilespmem:s18+$0x9000];
	[tilespmem:s18+$0x9000] =	vst v0  }
0x86: {  	v31 =	vld [tilespmem:s18+$0x11000];
	[tilespmem:s18+$0x11000] =	vst v0  }
0x87: {  	v32 =	vld [tilespmem:s18+$0x9800];
	[tilespmem:s18+$0x9800] =	vst v0  }
0x88: {  	s17 =	simm.s32 $0x10;
	v33 =	vld [tilespmem:s18+$0x11800];
	[tilespmem:s18+$0x11800] =	vst v0;
	v2 =	vadd.s32 v2, v3  }
0x89: {  	v34 =	vld [tilespmem:s17+$0x2000];
	v2 =	vadd.s32 v4, v2  }
0x8a: {  	v35 =	vld [tilespmem:s17+$0xA000];
	v2 =	vadd.s32 v5, v2  }
0x8b: {  	[tilespmem:s17+$0x2000] =	vst v0;
	v36 =	vld [tilespmem:s17+$0x2800];
	v2 =	vadd.s32 v6, v2  }
0x8c: {  	[tilespmem:s17+$0xA000] =	vst v0;
	v37 =	vld [tilespmem:s17+$0xA800];
	v2 =	vadd.s32 v7, v2  }
0x8d: {  	[tilespmem:s17+$0x2800] =	vst v0;
	v38 =	vld [tilespmem:s17+$0x3000];
	v2 =	vadd.s32 v8, v2  }
0x8e: {  	[tilespmem:s17+$0xA800] =	vst v0;
	v39 =	vld [tilespmem:s17+$0xB000];
	v2 =	vadd.s32 v9, v2  }
0x8f: {  	[tilespmem:s17+$0x3000] =	vst v0;
	v40 =	vld [tilespmem:s17+$0x3800];
	v2 =	vadd.s32 v10, v2  }
0x90: {  	[tilespmem:s17+$0xB000] =	vst v0;
	v41 =	vld [tilespmem:s17+$0xB800];
	v2 =	vadd.s32 v11, v2  }
0x91: {  	[tilespmem:s17+$0x3800] =	vst v0;
	v42 =	vld [tilespmem:s17+$0x4000];
	v7 =	vadd.s32 v34, v35;
	v2 =	vadd.s32 v12, v2  }
0x92: {  	[tilespmem:s17+$0xB800] =	vst v0;
	v43 =	vld [tilespmem:s17+$0xC000];
	v7 =	vadd.s32 v36, v7;
	v2 =	vadd.s32 v13, v2  }
0x93: {  	[tilespmem:s17+$0x4000] =	vst v0;
	v44 =	vld [tilespmem:s17+$0x4800];
	v7 =	vadd.s32 v37, v7;
	v2 =	vadd.s32 v14, v2  }
0x94: {  	[tilespmem:s17+$0xC000] =	vst v0;
	v45 =	vld [tilespmem:s17+$0xC800];
	v7 =	vadd.s32 v38, v7;
	v2 =	vadd.s32 v15, v2  }
0x95: {  	[tilespmem:s17+$0x4800] =	vst v0;
	v46 =	vld [tilespmem:s17+$0x5000];
	v7 =	vadd.s32 v39, v7;
	v2 =	vadd.s32 v16, v2  }
0x96: {  	[tilespmem:s17+$0xC800] =	vst v0;
	v61 =	vld [tilespmem:s17+$0xF000];
	v7 =	vadd.s32 v40, v7;
	v2 =	vadd.s32 v17, v2  }
0x97: {  	[tilespmem:s17+$0x5000] =	vst v0;
	v62 =	vld [tilespmem:s17+$0x7800];
	v7 =	vadd.s32 v41, v7;
	v2 =	vadd.s32 v18, v2  }
0x98: {  	[tilespmem:s17+$0xF000] =	vst v0;
	v3 =	vld [tilespmem:s17+$0xD000];
	v7 =	vadd.s32 v42, v7;
	v2 =	vadd.s32 v19, v2  }
0x99: {  	[tilespmem:s17+$0x7800] =	vst v0;
	v4 =	vld [tilespmem:s17+$0x5800];
	v7 =	vadd.s32 v43, v7;
	v2 =	vadd.s32 v20, v2  }
0x9a: {  	[tilespmem:s17+$0xD000] =	vst v0;
	v5 =	vld [tilespmem:s17+$0xD800];
	v7 =	vadd.s32 v44, v7;
	v2 =	vadd.s32 v21, v2  }
0x9b: {  	[tilespmem:s17+$0x5800] =	vst v0;
	v6 =	vld [tilespmem:s17+$0x6000];
	v7 =	vadd.s32 v45, v7;
	v2 =	vadd.s32 v22, v2  }
0x9c: {  	[tilespmem:s17+$0xD800] =	vst v0;
	v8 =	vld [tilespmem:s17+$0xE000];
	v7 =	vadd.s32 v46, v7;
	v2 =	vadd.s32 v23, v2  }
0x9d: {  	[tilespmem:s17+$0x6000] =	vst v0;
	v9 =	vld [tilespmem:s17+$0x6800];
	v3 =	vadd.s32 v3, v7;
	v63 =	vadd.s32 v24, v2  }
0x9e: {  	[tilespmem:s17+$0xE000] =	vst v0;
	v10 =	vld [tilespmem:s17+$0xE800];
	v3 =	vadd.s32 v4, v3;
	v7 =	vadd.s32 v25, v63  }
0x9f: {  	[tilespmem:s17+$0x6800] =	vst v0;
	v11 =	vld [tilespmem:s17+$0x7000];
	v5 =	vadd.s32 v5, v3;
	v4 =	vadd.s32 v26, v7  }
0xa0: {  	[tilespmem:s17+$0xE800] =	vst v0;
	v5 =	vadd.s32 v6, v5;
	v4 =	vadd.s32 v27, v4  }
0xa1: {  	[tilespmem:s17+$0x7000] =	vst v0;
	v3 =	vld [tilespmem:s17+$0x8000];
	v6 =	vadd.s32 v8, v5;
	v4 =	vadd.s32 v28, v4  }
0xa2: {  	[tilespmem:s17+$0x8000] =	vst v0;
	v2 =	vld [tilespmem:s17+$0xF800];
	v6 =	vadd.s32 v9, v6;
	v4 =	vadd.s32 v29, v4  }
0xa3: {  	v5 =	vld [tilespmem:s17+$0x10000];
	[tilespmem:s17+$0x10000] =	vst v0;
	v7 =	vadd.s32 v10, v6;
	v4 =	vadd.s32 v30, v4  }
0xa4: {  	[tilespmem:s17+$0xF800] =	vst v0;
	v7 =	vadd.s32 v11, v7;
	v4 =	vadd.s32 v31, v4  }
0xa5: {  	v6 =	vld [tilespmem:s17+$0x8800];
	[tilespmem:s17+$0x8800] =	vst v0;
	v8 =	vadd.s32 v61, v7;
	v4 =	vadd.s32 v32, v4  }
0xa6: {  	s19 =	simm.s32 $0x80;
	s20 =	simm.s32 $0xC0;
	v7 =	vld [tilespmem:s17+$0x10800];
	[tilespmem:s17+$0x10800] =	vst v0;
	v8 =	vadd.s32 v62, v8;
	v4 =	vadd.s32 v33, v4  }
.LBB2_13:
0xa7: {  	p0 =	sne.s32 s20, $0x1FC0;
	v2 =	vadd.s32 v2, v8;
	v8 =	vld [tilespmem:s17+$0x9000];
	[tilespmem:s17+$0x9000] =	vst v0  }
0xa8: {  	v2 =	vadd.s32 v3, v2;
	v3 =	vld [tilespmem:s17+$0x11000];
	[tilespmem:s17+$0x11000] =	vst v0  }
0xa9: {  	v2 =	vadd.s32 v5, v2;
	v5 =	vld [tilespmem:s17+$0x9800];
	[tilespmem:s17+$0x9800] =	vst v0  }
0xaa: {  	v2 =	vadd.s32 v6, v2;
	v6 =	vld [tilespmem:s17+$0x11800];
	[tilespmem:s17+$0x11800] =	vst v0  }
0xab: {  	v2 =	vadd.s32 v7, v2;
	[tilespmem:s18+$0x12000] =	vst v4;
	s18 =	smov.u32 s17;
	s17 =	sshra.s32 s19, $0x2;
	s19 =	smov.u32 s20  }
0xac: {  	v7 =	vld [tilespmem:s17+$0x2000];
	[tilespmem:s17+$0x2000] =	vst v0;
	v2 =	vadd.s32 v8, v2  }
0xad: {  	v8 =	vld [tilespmem:s17+$0xA000];
	[tilespmem:s17+$0xA000] =	vst v0;
	v2 =	vadd.s32 v3, v2  }
0xae: {  	v3 =	vld [tilespmem:s17+$0x2800];
	[tilespmem:s17+$0x2800] =	vst v0;
	v2 =	vadd.s32 v5, v2  }
0xaf: {  	v5 =	vld [tilespmem:s17+$0xA800];
	[tilespmem:s17+$0xA800] =	vst v0;
	v4 =	vadd.s32 v6, v2  }
0xb0: {  	v2 =	vld [tilespmem:s17+$0x3000];
	[tilespmem:s17+$0x3000] =	vst v0  }
0xb1: {  	v6 =	vld [tilespmem:s17+$0xB000];
	[tilespmem:s17+$0xB000] =	vst v0  }
0xb2: {  	v7 =	vadd.s32 v7, v8;
	v8 =	vld [tilespmem:s17+$0x3800];
	[tilespmem:s17+$0x3800] =	vst v0  }
0xb3: {  	v3 =	vadd.s32 v3, v7;
	v7 =	vld [tilespmem:s17+$0xB800];
	[tilespmem:s17+$0xB800] =	vst v0  }
0xb4: {  	v3 =	vadd.s32 v5, v3;
	v5 =	vld [tilespmem:s17+$0x4000];
	[tilespmem:s17+$0x4000] =	vst v0  }
0xb5: {  	v2 =	vadd.s32 v2, v3;
	v3 =	vld [tilespmem:s17+$0xC000];
	[tilespmem:s17+$0xC000] =	vst v0  }
0xb6: {  	v2 =	vadd.s32 v6, v2;
	v6 =	vld [tilespmem:s17+$0x4800];
	[tilespmem:s17+$0x4800] =	vst v0  }
0xb7: {  	v2 =	vadd.s32 v8, v2;
	v8 =	vld [tilespmem:s17+$0xC800];
	[tilespmem:s17+$0xC800] =	vst v0  }
0xb8: {  	v2 =	vadd.s32 v7, v2;
	v7 =	vld [tilespmem:s17+$0x5000];
	[tilespmem:s17+$0x5000] =	vst v0  }
0xb9: {  	v2 =	vadd.s32 v5, v2;
	v5 =	vld [tilespmem:s17+$0xD000];
	[tilespmem:s17+$0xD000] =	vst v0  }
0xba: {  	v2 =	vadd.s32 v3, v2;
	v3 =	vld [tilespmem:s17+$0x5800];
	[tilespmem:s17+$0x5800] =	vst v0  }
0xbb: {  	v2 =	vadd.s32 v6, v2;
	v6 =	vld [tilespmem:s17+$0xD800];
	[tilespmem:s17+$0xD800] =	vst v0  }
0xbc: {  	v2 =	vadd.s32 v8, v2;
	v8 =	vld [tilespmem:s17+$0x6000];
	[tilespmem:s17+$0x6000] =	vst v0  }
0xbd: {  	v2 =	vadd.s32 v7, v2;
	v7 =	vld [tilespmem:s17+$0xE000];
	[tilespmem:s17+$0xE000] =	vst v0  }
0xbe: {  	v2 =	vadd.s32 v5, v2;
	v5 =	vld [tilespmem:s17+$0x6800];
	[tilespmem:s17+$0x6800] =	vst v0  }
0xbf: {  	v2 =	vadd.s32 v3, v2;
	v3 =	vld [tilespmem:s17+$0xE800];
	[tilespmem:s17+$0xE800] =	vst v0  }
0xc0: {  	v2 =	vadd.s32 v6, v2;
	v6 =	vld [tilespmem:s17+$0x7000];
	[tilespmem:s17+$0x7000] =	vst v0  }
0xc1: {  	v2 =	vadd.s32 v8, v2;
	v8 =	vld [tilespmem:s17+$0xF000];
	[tilespmem:s17+$0xF000] =	vst v0  }
0xc2: {  	v2 =	vadd.s32 v7, v2;
	v7 =	vld [tilespmem:s17+$0x7800];
	[tilespmem:s17+$0x7800] =	vst v0  }
.Ltmp6:
0xc3: {  	v5 =	vadd.s32 v5, v2;
	v2 =	vld [tilespmem:s17+$0xF800];
	[tilespmem:s17+$0xF800] =	vst v0;
	(pc) =	sbr.rel @p0 .LBB2_13-.Ltmp6, $4  }
0xc4: {  	v5 =	vadd.s32 v3, v5;
	v3 =	vld [tilespmem:s17+$0x8000];
	[tilespmem:s17+$0x8000] =	vst v0  }
0xc5: {  	v6 =	vadd.s32 v6, v5;
	v5 =	vld [tilespmem:s17+$0x10000];
	[tilespmem:s17+$0x10000] =	vst v0  }
0xc6: {  	v8 =	vadd.s32 v8, v6;
	v6 =	vld [tilespmem:s17+$0x8800];
	[tilespmem:s17+$0x8800] =	vst v0  }
0xc7: {  	s20 =	sadd.s32 $0x40, s20;
	v8 =	vadd.s32 v7, v8;
	v7 =	vld [tilespmem:s17+$0x10800];
	[tilespmem:s17+$0x10800] =	vst v0  }
0xc8: {  	v9 =	vld [tilespmem:s17+$0x9000];
	[tilespmem:s17+$0x9000] =	vst v0  }
0xc9: {  	v10 =	vld [tilespmem:s17+$0x11000];
	[tilespmem:s17+$0x11000] =	vst v0  }
0xca: {  	v11 =	vld [tilespmem:s17+$0x9800];
	[tilespmem:s17+$0x9800] =	vst v0  }
0xcb: {  	v12 =	vld [tilespmem:s17+$0x11800];
	[tilespmem:s17+$0x11800] =	vst v0  }
0xcc: {  	s19 =	sshra.s32 s19, $0x2;
	[tilespmem:s18+$0x12000] =	vst v4  }
0xcd: {  	v4 =	vld [tilespmem:s19+$0x2000]  }
0xce: {  	v13 =	vld [tilespmem:s19+$0xA000]  }
0xcf: {  	v14 =	vld [tilespmem:s19+$0x2800]  }
0xd0: {  	v15 =	vld [tilespmem:s19+$0xA800]  }
0xd1: {  	[tilespmem:s19+$0x2000] =	vst v0;
	v16 =	vld [tilespmem:s19+$0x3000]  }
0xd2: {  	[tilespmem:s19+$0xA000] =	vst v0;
	v17 =	vld [tilespmem:s19+$0xB000]  }
0xd3: {  	[tilespmem:s19+$0x2800] =	vst v0;
	v38 =	vld [tilespmem:s19+$0x3800];
	v4 =	vadd.s32 v4, v13  }
0xd4: {  	[tilespmem:s19+$0xA800] =	vst v0;
	v39 =	vld [tilespmem:s19+$0xB800];
	v4 =	vadd.s32 v14, v4  }
0xd5: {  	[tilespmem:s19+$0x3000] =	vst v0;
	v40 =	vld [tilespmem:s19+$0x4000];
	v4 =	vadd.s32 v15, v4  }
0xd6: {  	[tilespmem:s19+$0xB000] =	vst v0;
	v41 =	vld [tilespmem:s19+$0xC000];
	v4 =	vadd.s32 v16, v4  }
0xd7: {  	[tilespmem:s19+$0x3800] =	vst v0;
	v42 =	vld [tilespmem:s19+$0x4800];
	v4 =	vadd.s32 v17, v4  }
0xd8: {  	[tilespmem:s19+$0xB800] =	vst v0;
	v43 =	vld [tilespmem:s19+$0xC800];
	v4 =	vadd.s32 v38, v4  }
0xd9: {  	[tilespmem:s19+$0x4000] =	vst v0;
	v44 =	vld [tilespmem:s19+$0x5000];
	v4 =	vadd.s32 v39, v4  }
0xda: {  	[tilespmem:s19+$0xC000] =	vst v0;
	v45 =	vld [tilespmem:s19+$0xD000];
	v4 =	vadd.s32 v40, v4  }
0xdb: {  	[tilespmem:s19+$0x4800] =	vst v0;
	v46 =	vld [tilespmem:s19+$0x5800];
	v4 =	vadd.s32 v41, v4  }
0xdc: {  	[tilespmem:s19+$0xC800] =	vst v0;
	v47 =	vld [tilespmem:s19+$0xD800];
	v4 =	vadd.s32 v42, v4  }
0xdd: {  	[tilespmem:s19+$0x5000] =	vst v0;
	v48 =	vld [tilespmem:s19+$0x6000];
	v4 =	vadd.s32 v43, v4  }
0xde: {  	[tilespmem:s19+$0xD000] =	vst v0;
	v49 =	vld [tilespmem:s19+$0xE000];
	v4 =	vadd.s32 v44, v4  }
0xdf: {  	[tilespmem:s19+$0x5800] =	vst v0;
	v50 =	vld [tilespmem:s19+$0x6800];
	v4 =	vadd.s32 v45, v4  }
0xe0: {  	[tilespmem:s19+$0xD800] =	vst v0;
	v51 =	vld [tilespmem:s19+$0xE800];
	v4 =	vadd.s32 v46, v4  }
0xe1: {  	[tilespmem:s19+$0x6000] =	vst v0;
	v52 =	vld [tilespmem:s19+$0x7000];
	v4 =	vadd.s32 v47, v4  }
0xe2: {  	[tilespmem:s19+$0xE000] =	vst v0;
	v53 =	vld [tilespmem:s19+$0xF000];
	v4 =	vadd.s32 v48, v4  }
0xe3: {  	[tilespmem:s19+$0x6800] =	vst v0;
	v54 =	vld [tilespmem:s19+$0x7800];
	v4 =	vadd.s32 v49, v4  }
0xe4: {  	[tilespmem:s19+$0xE800] =	vst v0;
	v55 =	vld [tilespmem:s19+$0xF800];
	v4 =	vadd.s32 v50, v4  }
0xe5: {  	[tilespmem:s19+$0x7000] =	vst v0;
	v56 =	vld [tilespmem:s19+$0x8000];
	v4 =	vadd.s32 v51, v4  }
0xe6: {  	[tilespmem:s19+$0xF000] =	vst v0;
	v57 =	vld [tilespmem:s19+$0x10000];
	v4 =	vadd.s32 v52, v4  }
0xe7: {  	[tilespmem:s19+$0x7800] =	vst v0;
	v58 =	vld [tilespmem:s19+$0x8800];
	v4 =	vadd.s32 v53, v4  }
0xe8: {  	v2 =	vadd.s32 v2, v8;
	[tilespmem:s19+$0xF800] =	vst v0;
	v59 =	vld [tilespmem:s19+$0x10800];
	v4 =	vadd.s32 v54, v4  }
0xe9: {  	v2 =	vadd.s32 v3, v2;
	[tilespmem:s19+$0x8000] =	vst v0;
	v60 =	vld [tilespmem:s19+$0x9000];
	v3 =	vadd.s32 v55, v4  }
0xea: {  	v2 =	vadd.s32 v5, v2;
	[tilespmem:s19+$0x10000] =	vst v0;
	v61 =	vld [tilespmem:s19+$0x11000];
	v3 =	vadd.s32 v56, v3  }
0xeb: {  	[tilespmem:s19+$0x8800] =	vst v0;
	v62 =	vld [tilespmem:s19+$0x9800];
	v2 =	vadd.s32 v6, v2;
	v3 =	vadd.s32 v57, v3  }
0xec: {  	[tilespmem:s19+$0x10800] =	vst v0;
	v63 =	vld [tilespmem:s19+$0x11800];
	v2 =	vadd.s32 v7, v2;
	v3 =	vadd.s32 v58, v3  }
0xed: {  	[tilespmem:s19+$0x9000] =	vst v0;
	v2 =	vadd.s32 v9, v2;
	v3 =	vadd.s32 v59, v3  }
0xee: {  	[tilespmem:s19+$0x11000] =	vst v0;
	v2 =	vadd.s32 v10, v2;
	v3 =	vadd.s32 v60, v3  }
0xef: {  	[tilespmem:s19+$0x9800] =	vst v0;
	v2 =	vadd.s32 v11, v2;
	v3 =	vadd.s32 v61, v3  }
0xf0: {  	s31 =	sshll.u32 s16, $0xD;
	s16 =	sadd.s32 $0x1, s16;
	[tilespmem:s19+$0x11800] =	vst v0;
	v2 =	vadd.s32 v12, v2;
	v3 =	vadd.s32 v62, v3  }
0xf1: {  	p0 =	sne.s32 s16, $0x13;
	[tilespmem:s17+$0x12000] =	vst v2;
	v2 =	vadd.s32 v63, v3  }
.Ltmp7:
0xf2: {  	s17 =	sadd.s32 s31, s5;
	[tilespmem:s19+$0x12000] =	vst v2;
	(pc) =	sbr.rel @p0 .LBB2_4-.Ltmp7, $4  }
0xf3: {  	[hbm4b:s17+s8] =	stream.strided.scatter [tilespmem:s13], [sflag:$0x3], $0x800, s9, s8, $0x38;
	[tilespmem:$0x12800] =	vst v63  }
0xf4: {  	_ =	swait.ge [sflag:s14], $0x800  }
0xf5: {  	[sflag:s14] =	ssyncset.done $0x0  }
0xf6: {  	[sflag:s14] =	ssyncadd.s32 $0xFFFFF800  }
0xf7: {  	s15 =	sadd.s32 $0x1, s15  }
0xf8: {  	p0 =	sne.s32 s15, s6  }
.Ltmp8:
0xf9: {  	_ = 	snop;
	(pc) =	sbr.rel @p0 .LBB2_1-.Ltmp8, $1  }
0xfa: {  	_ =	sdelay $0x3  }
0xfb: {  	_ =	sfence.sel $0x180000  }
0xfc: {  	[bflag:$0x0] =	sbarrier.arrive $0xFFFF  }
0xfd: {  	p0 =	sne.s32 s1, $0x0;
	_ =	strace $0x90000047  }
0xfe: {  	s0 =	sadd.s32 @!p0 $0x100000, s0;
	[bflag:$0x2] =	sbarrier.arrive $0xFFFF  }
0xff: {  	[sflag:s0] =	ssyncadd.tile.s32 @!p0 $0x1;
	_ =	shalt  }
.Lfunc_end2:
_tile_overlayer_lowered:
.L_overlay_start_2:
0x100: {  	(tag) =	ssettag $0x2  }
0x101: {  	s0 =	rddreg [dreg:$0x0];
	s2 =	stileid.u32  }
0x102: {  	s1 =	rddreg [dreg:$0x1];
	p0 =	sne.s32 s2, $0x0  }
0x103: {  	s3 =	rddreg [dreg:$0x2];
	[bflag:$0x3] =	sbarrier.arrive $0xFFFF;
	s2 =	simm.s32 @!p0 $0x1C03  }
0x104: {  	[timem:s3], [sflag:s2] =	dma.local @!p0 [hbm:s0], s1  }
0x105: {  	s0 =	simm.s32 @!p0 $0x3  }
0x106: {  	_ =	swait.ge @!p0 [sflag:s0], s1  }
0x107: {  	s1 =	ssub.s32 @!p0 $0x0, s1;
	[sflag:s0] =	ssyncset.done @!p0 $0x0  }
0x108: {  	[sflag:s0] =	ssyncadd.s32 @!p0 s1  }
0x109: {  	[bflag:$0x3] =	sbarrier.arrive $0xFFFF  }
0x10a: {  	_ =	shalt  }

</sc_bundles>
